<compile_context>
chip_gen: v7x
topology: tpu7x:2x2x1
jax: 0.10.2.dev20260603
libtpu: 0.0.44.dev20260713+nightly
codegen_flags: <defaults>
</compile_context>

<pallas_src>
import jax
import jax.numpy as jnp
from jax import lax
from jax.experimental import pallas as pl
from jax.experimental.pallas import tpu as pltpu
from jax.experimental.pallas import tpu_sc as plsc

B = 16384
D = 128
V = 4
L = 16
NC = 2
NS = 16
NW = NC * NS
BPW = B // NW
CHUNKS = (64,) * 8
OFFS = tuple(sum(CHUNKS[:i]) for i in range(len(CHUNKS)))
NCHUNK = len(CHUNKS)


def _normalize_table(tab_v, red_v):
    for r in range(V):
        acc = jnp.zeros((L,), jnp.float32)
        for j in range(D // L):
            v = tab_v[r, pl.ds(j * L, L)]
            acc = acc + v * v
        for sh in (8, 4, 2, 1):
            red_v[pl.ds(0, L)] = acc
            red_v[pl.ds(L, L)] = acc
            acc = acc + red_v[pl.ds(sh, L)]
        t = jnp.ones((L,), jnp.float32)
        for _ in range(4):
            t = 0.5 * (t + acc / t)
        scale = 1.0 / jnp.maximum(t, jnp.float32(1e-12))
        for j in range(D // L):
            tab_v[r, pl.ds(j * L, L)] = tab_v[r, pl.ds(j * L, L)] * scale


def _tec_body(ids_hbm, protos_hbm, out_hbm, idx_v, rows_v, tab_v, red_v,
              tab_sh, sem_g, sem_s):
    cid = lax.axis_index("c")
    sid = lax.axis_index("s")
    wid = cid * NS + sid

    idx_cp = pltpu.async_copy(
        ids_hbm.at[pl.ds(wid * BPW, BPW)], idx_v, sem_s)

    @pl.when(sid == 0)
    def _():
        pltpu.sync_copy(protos_hbm, tab_v)
        _normalize_table(tab_v, red_v)
        pltpu.sync_copy(tab_v, tab_sh)

    plsc.subcore_barrier()
    idx_cp.wait()

    gathers = [
        pltpu.async_copy(
            tab_sh.at[idx_v.at[pl.ds(OFFS[j], CHUNKS[j])]],
            rows_v.at[pl.ds(OFFS[j], CHUNKS[j])], sem_g)
        for j in range(NCHUNK)
    ]
    stores = [None] * NCHUNK
    for j in range(NCHUNK):
        gathers[j].wait()
        stores[j] = pltpu.async_copy(
            rows_v.at[pl.ds(OFFS[j], CHUNKS[j])],
            out_hbm.at[pl.ds(wid * BPW + OFFS[j], CHUNKS[j])], sem_s)
    for j in range(NCHUNK):
        stores[j].wait()


@jax.jit
def _sc_gather(ids2, protos):
    mesh = plsc.VectorSubcoreMesh(core_axis_name="c", subcore_axis_name="s")
    return pl.kernel(
        _tec_body,
        mesh=mesh,
        out_type=jax.ShapeDtypeStruct((B, D), jnp.float32),
        scratch_types=[
            pltpu.VMEM((BPW,), jnp.int32),
            pltpu.VMEM((BPW, D), jnp.float32),
            pltpu.VMEM((V, D), jnp.float32),
            pltpu.VMEM((2 * L,), jnp.float32),
            pltpu.VMEM_SHARED((V, D), jnp.float32),
            pltpu.SemaphoreType.DMA,
            pltpu.SemaphoreType.DMA,
        ],
    )(ids2, protos)


def kernel(modality_ids, prototypes):
    return _sc_gather(modality_ids.astype(jnp.int32), prototypes)

# --- scband reference (transcript-rebuilt; emitter-appended) ---
"""Pipeline reference for scband-contrast-bank-21663815041841 (READ-ONLY COPY).

The authoritative reference and input builder live on the scoring server;
editing this copy changes nothing except your own understanding.
"""

import jax, jax.numpy as jnp
import numpy as np

def _l2_normalize(x, axis, eps=1e-12):
    norm = jnp.sqrt(jnp.sum(x * x, axis=axis, keepdims=True))
    return x / jnp.maximum(norm, eps)

def setup_inputs(seed: int = 0) -> dict:
    key = jax.random.key(seed)
    k1, k2 = jax.random.split(key)
    modality_ids = jax.random.randint(k1, (16384,), 0, 4, dtype=jnp.int64) if jax.config.jax_enable_x64 else jax.random.randint(k1, (16384,), 0, 4, dtype=jnp.int32)
    # learned parameter: prototypes [num_modalities=4, dim=128], initialized like the torch module
    protos = jax.random.normal(k2, (4, 128), dtype=jnp.float32)
    protos = _l2_normalize(protos, axis=1)
    return {"modality_ids": modality_ids, "prototypes": protos}

def reference(modality_ids, prototypes):
    # gather prototype rows for each modality id (embedding lookup)
    protos = jnp.take(prototypes, modality_ids, axis=0)
    # F.normalize(protos, dim=1)
    return _l2_normalize(protos, axis=1)

if __name__ == "__main__":
    import jax
    _d = setup_inputs()
    print(jax.jit(kernel)(*tuple(_d.values())))

</pallas_src>

<mosaic_0001>
#map = affine_map<(d0, d1) -> (0)>
#map1 = affine_map<(d0, d1) -> (0, 0)>
module attributes {stable_mosaic.version = 14 : i64} {
  func.func @_tec_body(%arg0: i32, %arg1: i32, %arg2: memref<16384xi32, #tpu.memory_space<hbm>>, %arg3: memref<4x128xf32, #tpu.memory_space<hbm>>, %arg4: memref<16384x128xf32, #tpu.memory_space<hbm>>, %arg5: memref<512xi32, #tpu.memory_space<vmem>>, %arg6: memref<512x128xf32, #tpu.memory_space<vmem>>, %arg7: memref<4x128xf32, #tpu.memory_space<vmem>>, %arg8: memref<32xf32, #tpu.memory_space<vmem>>, %arg9: memref<4x128xf32, #tpu.memory_space<vmem_shared>>, %arg10: memref<!tpu.dma_semaphore, #tpu.memory_space<semaphore_mem>>, %arg11: memref<!tpu.dma_semaphore, #tpu.memory_space<semaphore_mem>>) attributes {dimension_semantics = [#tpu.dimension_semantics<core_parallel>, #tpu.dimension_semantics<subcore_parallel>], iteration_bounds = array<i64: 2, 16>, scalar_prefetch = 0 : i64, scratch_operands = 7 : i64, tpu.core_type = #tpu.core_type<sc_vector_subcore>, window_params = [{transform_indices = #map}, {transform_indices = #map1}, {transform_indices = #map1}]} {
    %mul3A = arith.constant 16 : i32
    %mul3A_0 = arith.muli %arg0, %mul3A : i32
    %add3A = arith.addi %mul3A_0, %arg1 : i32
    %mul3A_1 = arith.constant 512 : i32
    %mul3A_2 = arith.muli %add3A, %mul3A_1 : i32
    %dma_start3A = tpu.memref_slice %arg2[%mul3A_2] : memref<16384xi32, #tpu.memory_space<hbm>> -> memref<512xi32, #tpu.memory_space<hbm>>
    %dma_start3A_3 = tpu.memref_slice %arg2[%mul3A_2] : memref<16384xi32, #tpu.memory_space<hbm>> -> memref<512xi32, #tpu.memory_space<hbm>>
    tpu.enqueue_dma source(%dma_start3A_3 : memref<512xi32, #tpu.memory_space<hbm>>) target(%arg5 : memref<512xi32, #tpu.memory_space<vmem>>) target_semaphore(%arg11 : memref<!tpu.dma_semaphore, #tpu.memory_space<semaphore_mem>>)
    %eq3A = arith.constant 0 : i32
    %eq3A_4 = arith.cmpi eq, %arg1, %eq3A : i32
    %convert_element_type3A = arith.extui %eq3A_4 : i1 to i32
    %cond3A = arith.constant 0 : i32
    %cond3A_5 = arith.cmpi ne, %convert_element_type3A, %cond3A : i32
    scf.if %cond3A_5 {
      "tpu.region"() ({
        %run_scoped3A = tpu.sem_alloc : memref<!tpu.dma_semaphore, #tpu.memory_space<semaphore_mem>>
        tpu.enqueue_dma source(%arg3 : memref<4x128xf32, #tpu.memory_space<hbm>>) target(%arg7 : memref<4x128xf32, #tpu.memory_space<vmem>>) target_semaphore(%run_scoped3A : memref<!tpu.dma_semaphore, #tpu.memory_space<semaphore_mem>>)
        tpu.wait_dma2 semaphore(%run_scoped3A : memref<!tpu.dma_semaphore, #tpu.memory_space<semaphore_mem>>) src(%arg3 : memref<4x128xf32, #tpu.memory_space<hbm>>) dst(%arg7 : memref<4x128xf32, #tpu.memory_space<vmem>>)
        tpu.yield
      }) : () -> ()
      %broadcast_in_dim3A = arith.constant 0.000000e+00 : f32
      %broadcast_in_dim3A_327 = vector.broadcast %broadcast_in_dim3A : f32 to vector<16xf32>
      %get3A = arith.constant 0 : i32
      %get3A_328 = arith.index_cast %get3A : i32 to index
      %get3A_329 = arith.constant 0 : index
      %get3A_330 = tpu.vector_load %arg7[%get3A_328, %get3A_329] {strides = array<i32>} : memref<4x128xf32, #tpu.memory_space<vmem>>, vector<1x16xf32>,
      %get3A_331 = vector.shape_cast %get3A_330 : vector<1x16xf32> to vector<16xf32>
      %mul3A_332 = arith.mulf %get3A_331, %get3A_331 : vector<16xf32>
      %add3A_333 = arith.addf %broadcast_in_dim3A_327, %mul3A_332 : vector<16xf32>
      %get3A_334 = arith.constant 0 : i32
      %get3A_335 = arith.index_cast %get3A_334 : i32 to index
      %get3A_336 = arith.constant 16 : index
      %get3A_337 = tpu.vector_load %arg7[%get3A_335, %get3A_336] {strides = array<i32>} : memref<4x128xf32, #tpu.memory_space<vmem>>, vector<1x16xf32>,
      %get3A_338 = vector.shape_cast %get3A_337 : vector<1x16xf32> to vector<16xf32>
      %mul3A_339 = arith.mulf %get3A_338, %get3A_338 : vector<16xf32>
      %add3A_340 = arith.addf %add3A_333, %mul3A_339 : vector<16xf32>
      %get3A_341 = arith.constant 0 : i32
      %get3A_342 = arith.index_cast %get3A_341 : i32 to index
      %get3A_343 = arith.constant 32 : index
      %get3A_344 = tpu.vector_load %arg7[%get3A_342, %get3A_343] {strides = array<i32>} : memref<4x128xf32, #tpu.memory_space<vmem>>, vector<1x16xf32>,
      %get3A_345 = vector.shape_cast %get3A_344 : vector<1x16xf32> to vector<16xf32>
      %mul3A_346 = arith.mulf %get3A_345, %get3A_345 : vector<16xf32>
      %add3A_347 = arith.addf %add3A_340, %mul3A_346 : vector<16xf32>
      %get3A_348 = arith.constant 0 : i32
      %get3A_349 = arith.index_cast %get3A_348 : i32 to index
      %get3A_350 = arith.constant 48 : index
      %get3A_351 = tpu.vector_load %arg7[%get3A_349, %get3A_350] {strides = array<i32>} : memref<4x128xf32, #tpu.memory_space<vmem>>, vector<1x16xf32>,
      %get3A_352 = vector.shape_cast %get3A_351 : vector<1x16xf32> to vector<16xf32>
      %mul3A_353 = arith.mulf %get3A_352, %get3A_352 : vector<16xf32>
      %add3A_354 = arith.addf %add3A_347, %mul3A_353 : vector<16xf32>
      %get3A_355 = arith.constant 0 : i32
      %get3A_356 = arith.index_cast %get3A_355 : i32 to index
      %get3A_357 = arith.constant 64 : index
      %get3A_358 = tpu.vector_load %arg7[%get3A_356, %get3A_357] {strides = array<i32>} : memref<4x128xf32, #tpu.memory_space<vmem>>, vector<1x16xf32>,
      %get3A_359 = vector.shape_cast %get3A_358 : vector<1x16xf32> to vector<16xf32>
      %mul3A_360 = arith.mulf %get3A_359, %get3A_359 : vector<16xf32>
      %add3A_361 = arith.addf %add3A_354, %mul3A_360 : vector<16xf32>
      %get3A_362 = arith.constant 0 : i32
      %get3A_363 = arith.index_cast %get3A_362 : i32 to index
      %get3A_364 = arith.constant 80 : index
      %get3A_365 = tpu.vector_load %arg7[%get3A_363, %get3A_364] {strides = array<i32>} : memref<4x128xf32, #tpu.memory_space<vmem>>, vector<1x16xf32>,
      %get3A_366 = vector.shape_cast %get3A_365 : vector<1x16xf32> to vector<16xf32>
      %mul3A_367 = arith.mulf %get3A_366, %get3A_366 : vector<16xf32>
      %add3A_368 = arith.addf %add3A_361, %mul3A_367 : vector<16xf32>
      %get3A_369 = arith.constant 0 : i32
      %get3A_370 = arith.index_cast %get3A_369 : i32 to index
      %get3A_371 = arith.constant 96 : index
      %get3A_372 = tpu.vector_load %arg7[%get3A_370, %get3A_371] {strides = array<i32>} : memref<4x128xf32, #tpu.memory_space<vmem>>, vector<1x16xf32>,
      %get3A_373 = vector.shape_cast %get3A_372 : vector<1x16xf32> to vector<16xf32>
      %mul3A_374 = arith.mulf %get3A_373, %get3A_373 : vector<16xf32>
      %add3A_375 = arith.addf %add3A_368, %mul3A_374 : vector<16xf32>
      %get3A_376 = arith.constant 0 : i32
      %get3A_377 = arith.index_cast %get3A_376 : i32 to index
      %get3A_378 = arith.constant 112 : index
      %get3A_379 = tpu.vector_load %arg7[%get3A_377, %get3A_378] {strides = array<i32>} : memref<4x128xf32, #tpu.memory_space<vmem>>, vector<1x16xf32>,
      %get3A_380 = vector.shape_cast %get3A_379 : vector<1x16xf32> to vector<16xf32>
      %mul3A_381 = arith.mulf %get3A_380, %get3A_380 : vector<16xf32>
      %add3A_382 = arith.addf %add3A_375, %mul3A_381 : vector<16xf32>
      %swap3A = arith.constant 0 : index
      %swap3A_383 = tpu.vector_load %arg8[%swap3A] {strides = array<i32>} : memref<32xf32, #tpu.memory_space<vmem>>, vector<16xf32>,
      %swap3A_384 = vector.shape_cast %swap3A_383 : vector<16xf32> to vector<16xf32>
      %swap3A_385 = vector.shape_cast %add3A_382 : vector<16xf32> to vector<16xf32>
      tpu.vector_store %arg8[%swap3A], %swap3A_385 {strides = array<i32>} : memref<32xf32, #tpu.memory_space<vmem>>, vector<16xf32>,
      %swap3A_386 = arith.constant 16 : index
      %swap3A_387 = tpu.vector_load %arg8[%swap3A_386] {strides = array<i32>} : memref<32xf32, #tpu.memory_space<vmem>>, vector<16xf32>,
      %swap3A_388 = vector.shape_cast %swap3A_387 : vector<16xf32> to vector<16xf32>
      %swap3A_389 = vector.shape_cast %add3A_382 : vector<16xf32> to vector<16xf32>
      tpu.vector_store %arg8[%swap3A_386], %swap3A_389 {strides = array<i32>} : memref<32xf32, #tpu.memory_space<vmem>>, vector<16xf32>,
      %get3A_390 = arith.constant 8 : index
      %get3A_391 = tpu.vector_load %arg8[%get3A_390] {strides = array<i32>} : memref<32xf32, #tpu.memory_space<vmem>>, vector<16xf32>,
      %get3A_392 = vector.shape_cast %get3A_391 : vector<16xf32> to vector<16xf32>
      %add3A_393 = arith.addf %add3A_382, %get3A_392 : vector<16xf32>
      %swap3A_394 = arith.constant 0 : index
      %swap3A_395 = tpu.vector_load %arg8[%swap3A_394] {strides = array<i32>} : memref<32xf32, #tpu.memory_space<vmem>>, vector<16xf32>,
      %swap3A_396 = vector.shape_cast %swap3A_395 : vector<16xf32> to vector<16xf32>
      %swap3A_397 = vector.shape_cast %add3A_393 : vector<16xf32> to vector<16xf32>
      tpu.vector_store %arg8[%swap3A_394], %swap3A_397 {strides = array<i32>} : memref<32xf32, #tpu.memory_space<vmem>>, vector<16xf32>,
      %swap3A_398 = arith.constant 16 : index
      %swap3A_399 = tpu.vector_load %arg8[%swap3A_398] {strides = array<i32>} : memref<32xf32, #tpu.memory_space<vmem>>, vector<16xf32>,
      %swap3A_400 = vector.shape_cast %swap3A_399 : vector<16xf32> to vector<16xf32>
      %swap3A_401 = vector.shape_cast %add3A_393 : vector<16xf32> to vector<16xf32>
      tpu.vector_store %arg8[%swap3A_398], %swap3A_401 {strides = array<i32>} : memref<32xf32, #tpu.memory_space<vmem>>, vector<16xf32>,
      %get3A_402 = arith.constant 4 : index
      %get3A_403 = tpu.vector_load %arg8[%get3A_402] {strides = array<i32>} : memref<32xf32, #tpu.memory_space<vmem>>, vector<16xf32>,
      %get3A_404 = vector.shape_cast %get3A_403 : vector<16xf32> to vector<16xf32>
      %add3A_405 = arith.addf %add3A_393, %get3A_404 : vector<16xf32>
      %swap3A_406 = arith.constant 0 : index
      %swap3A_407 = tpu.vector_load %arg8[%swap3A_406] {strides = array<i32>} : memref<32xf32, #tpu.memory_space<vmem>>, vector<16xf32>,
      %swap3A_408 = vector.shape_cast %swap3A_407 : vector<16xf32> to vector<16xf32>
      %swap3A_409 = vector.shape_cast %add3A_405 : vector<16xf32> to vector<16xf32>
      tpu.vector_store %arg8[%swap3A_406], %swap3A_409 {strides = array<i32>} : memref<32xf32, #tpu.memory_space<vmem>>, vector<16xf32>,
      %swap3A_410 = arith.constant 16 : index
      %swap3A_411 = tpu.vector_load %arg8[%swap3A_410] {strides = array<i32>} : memref<32xf32, #tpu.memory_space<vmem>>, vector<16xf32>,
      %swap3A_412 = vector.shape_cast %swap3A_411 : vector<16xf32> to vector<16xf32>
      %swap3A_413 = vector.shape_cast %add3A_405 : vector<16xf32> to vector<16xf32>
      tpu.vector_store %arg8[%swap3A_410], %swap3A_413 {strides = array<i32>} : memref<32xf32, #tpu.memory_space<vmem>>, vector<16xf32>,
      %get3A_414 = arith.constant 2 : index
      %get3A_415 = tpu.vector_load %arg8[%get3A_414] {strides = array<i32>} : memref<32xf32, #tpu.memory_space<vmem>>, vector<16xf32>,
      %get3A_416 = vector.shape_cast %get3A_415 : vector<16xf32> to vector<16xf32>
      %add3A_417 = arith.addf %add3A_405, %get3A_416 : vector<16xf32>
      %swap3A_418 = arith.constant 0 : index
      %swap3A_419 = tpu.vector_load %arg8[%swap3A_418] {strides = array<i32>} : memref<32xf32, #tpu.memory_space<vmem>>, vector<16xf32>,
      %swap3A_420 = vector.shape_cast %swap3A_419 : vector<16xf32> to vector<16xf32>
      %swap3A_421 = vector.shape_cast %add3A_417 : vector<16xf32> to vector<16xf32>
      tpu.vector_store %arg8[%swap3A_418], %swap3A_421 {strides = array<i32>} : memref<32xf32, #tpu.memory_space<vmem>>, vector<16xf32>,
      %swap3A_422 = arith.constant 16 : index
      %swap3A_423 = tpu.vector_load %arg8[%swap3A_422] {strides = array<i32>} : memref<32xf32, #tpu.memory_space<vmem>>, vector<16xf32>,
      %swap3A_424 = vector.shape_cast %swap3A_423 : vector<16xf32> to vector<16xf32>
      %swap3A_425 = vector.shape_cast %add3A_417 : vector<16xf32> to vector<16xf32>
      tpu.vector_store %arg8[%swap3A_422], %swap3A_425 {strides = array<i32>} : memref<32xf32, #tpu.memory_space<vmem>>, vector<16xf32>,
      %get3A_426 = arith.constant 1 : index
      %get3A_427 = tpu.vector_load %arg8[%get3A_426] {strides = array<i32>} : memref<32xf32, #tpu.memory_space<vmem>>, vector<16xf32>,
      %get3A_428 = vector.shape_cast %get3A_427 : vector<16xf32> to vector<16xf32>
      %add3A_429 = arith.addf %add3A_417, %get3A_428 : vector<16xf32>
      %broadcast_in_dim3A_430 = arith.constant 1.000000e+00 : f32
      %broadcast_in_dim3A_431 = vector.broadcast %broadcast_in_dim3A_430 : f32 to vector<16xf32>
      %div3A = arith.divf %add3A_429, %broadcast_in_dim3A_431 : vector<16xf32>
      %add3A_432 = arith.addf %broadcast_in_dim3A_431, %div3A : vector<16xf32>
      %mul3A_433 = arith.constant 5.000000e-01 : f32
      %mul3A_434 = vector.broadcast %mul3A_433 : f32 to vector<16xf32>
      %mul3A_435 = arith.mulf %mul3A_434, %add3A_432 : vector<16xf32>
      %div3A_436 = arith.divf %add3A_429, %mul3A_435 : vector<16xf32>
      %add3A_437 = arith.addf %mul3A_435, %div3A_436 : vector<16xf32>
      %mul3A_438 = arith.constant 5.000000e-01 : f32
      %mul3A_439 = vector.broadcast %mul3A_438 : f32 to vector<16xf32>
      %mul3A_440 = arith.mulf %mul3A_439, %add3A_437 : vector<16xf32>
      %div3A_441 = arith.divf %add3A_429, %mul3A_440 : vector<16xf32>
      %add3A_442 = arith.addf %mul3A_440, %div3A_441 : vector<16xf32>
      %mul3A_443 = arith.constant 5.000000e-01 : f32
      %mul3A_444 = vector.broadcast %mul3A_443 : f32 to vector<16xf32>
      %mul3A_445 = arith.mulf %mul3A_444, %add3A_442 : vector<16xf32>
      %div3A_446 = arith.divf %add3A_429, %mul3A_445 : vector<16xf32>
      %add3A_447 = arith.addf %mul3A_445, %div3A_446 : vector<16xf32>
      %mul3A_448 = arith.constant 5.000000e-01 : f32
      %mul3A_449 = vector.broadcast %mul3A_448 : f32 to vector<16xf32>
      %mul3A_450 = arith.mulf %mul3A_449, %add3A_447 : vector<16xf32>
      %max3A = arith.constant 9.99999996E-13 : f32
      %max3A_451 = vector.broadcast %max3A : f32 to vector<16xf32>
      %max3A_452 = arith.maximumf %mul3A_450, %max3A_451 : vector<16xf32>
      %div3A_453 = arith.constant 1.000000e+00 : f32
      %div3A_454 = vector.broadcast %div3A_453 : f32 to vector<16xf32>
      %div3A_455 = arith.divf %div3A_454, %max3A_452 : vector<16xf32>
      %get3A_456 = arith.constant 0 : i32
      %get3A_457 = arith.index_cast %get3A_456 : i32 to index
      %get3A_458 = arith.constant 0 : index
      %get3A_459 = tpu.vector_load %arg7[%get3A_457, %get3A_458] {strides = array<i32>} : memref<4x128xf32, #tpu.memory_space<vmem>>, vector<1x16xf32>,
      %get3A_460 = vector.shape_cast %get3A_459 : vector<1x16xf32> to vector<16xf32>
      %mul3A_461 = arith.mulf %get3A_460, %div3A_455 : vector<16xf32>
      %swap3A_462 = arith.constant 0 : i32
      %swap3A_463 = arith.index_cast %swap3A_462 : i32 to index
      %swap3A_464 = arith.constant 0 : index
      %swap3A_465 = tpu.vector_load %arg7[%swap3A_463, %swap3A_464] {strides = array<i32>} : memref<4x128xf32, #tpu.memory_space<vmem>>, vector<1x16xf32>,
      %swap3A_466 = vector.shape_cast %swap3A_465 : vector<1x16xf32> to vector<16xf32>
      %swap3A_467 = vector.shape_cast %mul3A_461 : vector<16xf32> to vector<1x16xf32>
      tpu.vector_store %arg7[%swap3A_463, %swap3A_464], %swap3A_467 {strides = array<i32>} : memref<4x128xf32, #tpu.memory_space<vmem>>, vector<1x16xf32>,
      %get3A_468 = arith.constant 0 : i32
      %get3A_469 = arith.index_cast %get3A_468 : i32 to index
      %get3A_470 = arith.constant 16 : index
      %get3A_471 = tpu.vector_load %arg7[%get3A_469, %get3A_470] {strides = array<i32>} : memref<4x128xf32, #tpu.memory_space<vmem>>, vector<1x16xf32>,
      %get3A_472 = vector.shape_cast %get3A_471 : vector<1x16xf32> to vector<16xf32>
      %mul3A_473 = arith.mulf %get3A_472, %div3A_455 : vector<16xf32>
      %swap3A_474 = arith.constant 0 : i32
      %swap3A_475 = arith.index_cast %swap3A_474 : i32 to index
      %swap3A_476 = arith.constant 16 : index
      %swap3A_477 = tpu.vector_load %arg7[%swap3A_475, %swap3A_476] {strides = array<i32>} : memref<4x128xf32, #tpu.memory_space<vmem>>, vector<1x16xf32>,
      %swap3A_478 = vector.shape_cast %swap3A_477 : vector<1x16xf32> to vector<16xf32>
      %swap3A_479 = vector.shape_cast %mul3A_473 : vector<16xf32> to vector<1x16xf32>
      tpu.vector_store %arg7[%swap3A_475, %swap3A_476], %swap3A_479 {strides = array<i32>} : memref<4x128xf32, #tpu.memory_space<vmem>>, vector<1x16xf32>,
      %get3A_480 = arith.constant 0 : i32
      %get3A_481 = arith.index_cast %get3A_480 : i32 to index
      %get3A_482 = arith.constant 32 : index
      %get3A_483 = tpu.vector_load %arg7[%get3A_481, %get3A_482] {strides = array<i32>} : memref<4x128xf32, #tpu.memory_space<vmem>>, vector<1x16xf32>,
      %get3A_484 = vector.shape_cast %get3A_483 : vector<1x16xf32> to vector<16xf32>
      %mul3A_485 = arith.mulf %get3A_484, %div3A_455 : vector<16xf32>
      %swap3A_486 = arith.constant 0 : i32
      %swap3A_487 = arith.index_cast %swap3A_486 : i32 to index
      %swap3A_488 = arith.constant 32 : index
      %swap3A_489 = tpu.vector_load %arg7[%swap3A_487, %swap3A_488] {strides = array<i32>} : memref<4x128xf32, #tpu.memory_space<vmem>>, vector<1x16xf32>,
      %swap3A_490 = vector.shape_cast %swap3A_489 : vector<1x16xf32> to vector<16xf32>
      %swap3A_491 = vector.shape_cast %mul3A_485 : vector<16xf32> to vector<1x16xf32>
      tpu.vector_store %arg7[%swap3A_487, %swap3A_488], %swap3A_491 {strides = array<i32>} : memref<4x128xf32, #tpu.memory_space<vmem>>, vector<1x16xf32>,
      %get3A_492 = arith.constant 0 : i32
      %get3A_493 = arith.index_cast %get3A_492 : i32 to index
      %get3A_494 = arith.constant 48 : index
      %get3A_495 = tpu.vector_load %arg7[%get3A_493, %get3A_494] {strides = array<i32>} : memref<4x128xf32, #tpu.memory_space<vmem>>, vector<1x16xf32>,
      %get3A_496 = vector.shape_cast %get3A_495 : vector<1x16xf32> to vector<16xf32>
      %mul3A_497 = arith.mulf %get3A_496, %div3A_455 : vector<16xf32>
      %swap3A_498 = arith.constant 0 : i32
      %swap3A_499 = arith.index_cast %swap3A_498 : i32 to index
      %swap3A_500 = arith.constant 48 : index
      %swap3A_501 = tpu.vector_load %arg7[%swap3A_499, %swap3A_500] {strides = array<i32>} : memref<4x128xf32, #tpu.memory_space<vmem>>, vector<1x16xf32>,
      %swap3A_502 = vector.shape_cast %swap3A_501 : vector<1x16xf32> to vector<16xf32>
      %swap3A_503 = vector.shape_cast %mul3A_497 : vector<16xf32> to vector<1x16xf32>
      tpu.vector_store %arg7[%swap3A_499, %swap3A_500], %swap3A_503 {strides = array<i32>} : memref<4x128xf32, #tpu.memory_space<vmem>>, vector<1x16xf32>,
      %get3A_504 = arith.constant 0 : i32
      %get3A_505 = arith.index_cast %get3A_504 : i32 to index
      %get3A_506 = arith.constant 64 : index
      %get3A_507 = tpu.vector_load %arg7[%get3A_505, %get3A_506] {strides = array<i32>} : memref<4x128xf32, #tpu.memory_space<vmem>>, vector<1x16xf32>,
      %get3A_508 = vector.shape_cast %get3A_507 : vector<1x16xf32> to vector<16xf32>
      %mul3A_509 = arith.mulf %get3A_508, %div3A_455 : vector<16xf32>
      %swap3A_510 = arith.constant 0 : i32
      %swap3A_511 = arith.index_cast %swap3A_510 : i32 to index
      %swap3A_512 = arith.constant 64 : index
      %swap3A_513 = tpu.vector_load %arg7[%swap3A_511, %swap3A_512] {strides = array<i32>} : memref<4x128xf32, #tpu.memory_space<vmem>>, vector<1x16xf32>,
      %swap3A_514 = vector.shape_cast %swap3A_513 : vector<1x16xf32> to vector<16xf32>
      %swap3A_515 = vector.shape_cast %mul3A_509 : vector<16xf32> to vector<1x16xf32>
      tpu.vector_store %arg7[%swap3A_511, %swap3A_512], %swap3A_515 {strides = array<i32>} : memref<4x128xf32, #tpu.memory_space<vmem>>, vector<1x16xf32>,
      %get3A_516 = arith.constant 0 : i32
      %get3A_517 = arith.index_cast %get3A_516 : i32 to index
      %get3A_518 = arith.constant 80 : index
      %get3A_519 = tpu.vector_load %arg7[%get3A_517, %get3A_518] {strides = array<i32>} : memref<4x128xf32, #tpu.memory_space<vmem>>, vector<1x16xf32>,
      %get3A_520 = vector.shape_cast %get3A_519 : vector<1x16xf32> to vector<16xf32>
      %mul3A_521 = arith.mulf %get3A_520, %div3A_455 : vector<16xf32>
      %swap3A_522 = arith.constant 0 : i32
      %swap3A_523 = arith.index_cast %swap3A_522 : i32 to index
      %swap3A_524 = arith.constant 80 : index
      %swap3A_525 = tpu.vector_load %arg7[%swap3A_523, %swap3A_524] {strides = array<i32>} : memref<4x128xf32, #tpu.memory_space<vmem>>, vector<1x16xf32>,
      %swap3A_526 = vector.shape_cast %swap3A_525 : vector<1x16xf32> to vector<16xf32>
      %swap3A_527 = vector.shape_cast %mul3A_521 : vector<16xf32> to vector<1x16xf32>
      tpu.vector_store %arg7[%swap3A_523, %swap3A_524], %swap3A_527 {strides = array<i32>} : memref<4x128xf32, #tpu.memory_space<vmem>>, vector<1x16xf32>,
      %get3A_528 = arith.constant 0 : i32
      %get3A_529 = arith.index_cast %get3A_528 : i32 to index
      %get3A_530 = arith.constant 96 : index
      %get3A_531 = tpu.vector_load %arg7[%get3A_529, %get3A_530] {strides = array<i32>} : memref<4x128xf32, #tpu.memory_space<vmem>>, vector<1x16xf32>,
      %get3A_532 = vector.shape_cast %get3A_531 : vector<1x16xf32> to vector<16xf32>
      %mul3A_533 = arith.mulf %get3A_532, %div3A_455 : vector<16xf32>
      %swap3A_534 = arith.constant 0 : i32
      %swap3A_535 = arith.index_cast %swap3A_534 : i32 to index
      %swap3A_536 = arith.constant 96 : index
      %swap3A_537 = tpu.vector_load %arg7[%swap3A_535, %swap3A_536] {strides = array<i32>} : memref<4x128xf32, #tpu.memory_space<vmem>>, vector<1x16xf32>,
      %swap3A_538 = vector.shape_cast %swap3A_537 : vector<1x16xf32> to vector<16xf32>
      %swap3A_539 = vector.shape_cast %mul3A_533 : vector<16xf32> to vector<1x16xf32>
      tpu.vector_store %arg7[%swap3A_535, %swap3A_536], %swap3A_539 {strides = array<i32>} : memref<4x128xf32, #tpu.memory_space<vmem>>, vector<1x16xf32>,
      %get3A_540 = arith.constant 0 : i32
      %get3A_541 = arith.index_cast %get3A_540 : i32 to index
      %get3A_542 = arith.constant 112 : index
      %get3A_543 = tpu.vector_load %arg7[%get3A_541, %get3A_542] {strides = array<i32>} : memref<4x128xf32, #tpu.memory_space<vmem>>, vector<1x16xf32>,
      %get3A_544 = vector.shape_cast %get3A_543 : vector<1x16xf32> to vector<16xf32>
      %mul3A_545 = arith.mulf %get3A_544, %div3A_455 : vector<16xf32>
      %swap3A_546 = arith.constant 0 : i32
      %swap3A_547 = arith.index_cast %swap3A_546 : i32 to index
      %swap3A_548 = arith.constant 112 : index
      %swap3A_549 = tpu.vector_load %arg7[%swap3A_547, %swap3A_548] {strides = array<i32>} : memref<4x128xf32, #tpu.memory_space<vmem>>, vector<1x16xf32>,
      %swap3A_550 = vector.shape_cast %swap3A_549 : vector<1x16xf32> to vector<16xf32>
      %swap3A_551 = vector.shape_cast %mul3A_545 : vector<16xf32> to vector<1x16xf32>
      tpu.vector_store %arg7[%swap3A_547, %swap3A_548], %swap3A_551 {strides = array<i32>} : memref<4x128xf32, #tpu.memory_space<vmem>>, vector<1x16xf32>,
      %broadcast_in_dim3A_552 = arith.constant 0.000000e+00 : f32
      %broadcast_in_dim3A_553 = vector.broadcast %broadcast_in_dim3A_552 : f32 to vector<16xf32>
      %get3A_554 = arith.constant 1 : i32
      %get3A_555 = arith.index_cast %get3A_554 : i32 to index
      %get3A_556 = arith.constant 0 : index
      %get3A_557 = tpu.vector_load %arg7[%get3A_555, %get3A_556] {strides = array<i32>} : memref<4x128xf32, #tpu.memory_space<vmem>>, vector<1x16xf32>,
      %get3A_558 = vector.shape_cast %get3A_557 : vector<1x16xf32> to vector<16xf32>
      %mul3A_559 = arith.mulf %get3A_558, %get3A_558 : vector<16xf32>
      %add3A_560 = arith.addf %broadcast_in_dim3A_553, %mul3A_559 : vector<16xf32>
      %get3A_561 = arith.constant 1 : i32
      %get3A_562 = arith.index_cast %get3A_561 : i32 to index
      %get3A_563 = arith.constant 16 : index
      %get3A_564 = tpu.vector_load %arg7[%get3A_562, %get3A_563] {strides = array<i32>} : memref<4x128xf32, #tpu.memory_space<vmem>>, vector<1x16xf32>,
      %get3A_565 = vector.shape_cast %get3A_564 : vector<1x16xf32> to vector<16xf32>
      %mul3A_566 = arith.mulf %get3A_565, %get3A_565 : vector<16xf32>
      %add3A_567 = arith.addf %add3A_560, %mul3A_566 : vector<16xf32>
      %get3A_568 = arith.constant 1 : i32
      %get3A_569 = arith.index_cast %get3A_568 : i32 to index
      %get3A_570 = arith.constant 32 : index
      %get3A_571 = tpu.vector_load %arg7[%get3A_569, %get3A_570] {strides = array<i32>} : memref<4x128xf32, #tpu.memory_space<vmem>>, vector<1x16xf32>,
      %get3A_572 = vector.shape_cast %get3A_571 : vector<1x16xf32> to vector<16xf32>
      %mul3A_573 = arith.mulf %get3A_572, %get3A_572 : vector<16xf32>
      %add3A_574 = arith.addf %add3A_567, %mul3A_573 : vector<16xf32>
      %get3A_575 = arith.constant 1 : i32
      %get3A_576 = arith.index_cast %get3A_575 : i32 to index
      %get3A_577 = arith.constant 48 : index
      %get3A_578 = tpu.vector_load %arg7[%get3A_576, %get3A_577] {strides = array<i32>} : memref<4x128xf32, #tpu.memory_space<vmem>>, vector<1x16xf32>,
      %get3A_579 = vector.shape_cast %get3A_578 : vector<1x16xf32> to vector<16xf32>
      %mul3A_580 = arith.mulf %get3A_579, %get3A_579 : vector<16xf32>
      %add3A_581 = arith.addf %add3A_574, %mul3A_580 : vector<16xf32>
      %get3A_582 = arith.constant 1 : i32
      %get3A_583 = arith.index_cast %get3A_582 : i32 to index
      %get3A_584 = arith.constant 64 : index
      %get3A_585 = tpu.vector_load %arg7[%get3A_583, %get3A_584] {strides = array<i32>} : memref<4x128xf32, #tpu.memory_space<vmem>>, vector<1x16xf32>,
      %get3A_586 = vector.shape_cast %get3A_585 : vector<1x16xf32> to vector<16xf32>
      %mul3A_587 = arith.mulf %get3A_586, %get3A_586 : vector<16xf32>
      %add3A_588 = arith.addf %add3A_581, %mul3A_587 : vector<16xf32>
      %get3A_589 = arith.constant 1 : i32
      %get3A_590 = arith.index_cast %get3A_589 : i32 to index
      %get3A_591 = arith.constant 80 : index
      %get3A_592 = tpu.vector_load %arg7[%get3A_590, %get3A_591] {strides = array<i32>} : memref<4x128xf32, #tpu.memory_space<vmem>>, vector<1x16xf32>,
      %get3A_593 = vector.shape_cast %get3A_592 : vector<1x16xf32> to vector<16xf32>
      %mul3A_594 = arith.mulf %get3A_593, %get3A_593 : vector<16xf32>
      %add3A_595 = arith.addf %add3A_588, %mul3A_594 : vector<16xf32>
      %get3A_596 = arith.constant 1 : i32
      %get3A_597 = arith.index_cast %get3A_596 : i32 to index
      %get3A_598 = arith.constant 96 : index
      %get3A_599 = tpu.vector_load %arg7[%get3A_597, %get3A_598] {strides = array<i32>} : memref<4x128xf32, #tpu.memory_space<vmem>>, vector<1x16xf32>,
      %get3A_600 = vector.shape_cast %get3A_599 : vector<1x16xf32> to vector<16xf32>
      %mul3A_601 = arith.mulf %get3A_600, %get3A_600 : vector<16xf32>
      %add3A_602 = arith.addf %add3A_595, %mul3A_601 : vector<16xf32>
      %get3A_603 = arith.constant 1 : i32
      %get3A_604 = arith.index_cast %get3A_603 : i32 to index
      %get3A_605 = arith.constant 112 : index
      %get3A_606 = tpu.vector_load %arg7[%get3A_604, %get3A_605] {strides = array<i32>} : memref<4x128xf32, #tpu.memory_space<vmem>>, vector<1x16xf32>,
      %get3A_607 = vector.shape_cast %get3A_606 : vector<1x16xf32> to vector<16xf32>
      %mul3A_608 = arith.mulf %get3A_607, %get3A_607 : vector<16xf32>
      %add3A_609 = arith.addf %add3A_602, %mul3A_608 : vector<16xf32>
      %swap3A_610 = arith.constant 0 : index
      %swap3A_611 = tpu.vector_load %arg8[%swap3A_610] {strides = array<i32>} : memref<32xf32, #tpu.memory_space<vmem>>, vector<16xf32>,
      %swap3A_612 = vector.shape_cast %swap3A_611 : vector<16xf32> to vector<16xf32>
      %swap3A_613 = vector.shape_cast %add3A_609 : vector<16xf32> to vector<16xf32>
      tpu.vector_store %arg8[%swap3A_610], %swap3A_613 {strides = array<i32>} : memref<32xf32, #tpu.memory_space<vmem>>, vector<16xf32>,
      %swap3A_614 = arith.constant 16 : index
      %swap3A_615 = tpu.vector_load %arg8[%swap3A_614] {strides = array<i32>} : memref<32xf32, #tpu.memory_space<vmem>>, vector<16xf32>,
      %swap3A_616 = vector.shape_cast %swap3A_615 : vector<16xf32> to vector<16xf32>
      %swap3A_617 = vector.shape_cast %add3A_609 : vector<16xf32> to vector<16xf32>
      tpu.vector_store %arg8[%swap3A_614], %swap3A_617 {strides = array<i32>} : memref<32xf32, #tpu.memory_space<vmem>>, vector<16xf32>,
      %get3A_618 = arith.constant 8 : index
      %get3A_619 = tpu.vector_load %arg8[%get3A_618] {strides = array<i32>} : memref<32xf32, #tpu.memory_space<vmem>>, vector<16xf32>,
      %get3A_620 = vector.shape_cast %get3A_619 : vector<16xf32> to vector<16xf32>
      %add3A_621 = arith.addf %add3A_609, %get3A_620 : vector<16xf32>
      %swap3A_622 = arith.constant 0 : index
      %swap3A_623 = tpu.vector_load %arg8[%swap3A_622] {strides = array<i32>} : memref<32xf32, #tpu.memory_space<vmem>>, vector<16xf32>,
      %swap3A_624 = vector.shape_cast %swap3A_623 : vector<16xf32> to vector<16xf32>
      %swap3A_625 = vector.shape_cast %add3A_621 : vector<16xf32> to vector<16xf32>
      tpu.vector_store %arg8[%swap3A_622], %swap3A_625 {strides = array<i32>} : memref<32xf32, #tpu.memory_space<vmem>>, vector<16xf32>,
      %swap3A_626 = arith.constant 16 : index
      %swap3A_627 = tpu.vector_load %arg8[%swap3A_626] {strides = array<i32>} : memref<32xf32, #tpu.memory_space<vmem>>, vector<16xf32>,
      %swap3A_628 = vector.shape_cast %swap3A_627 : vector<16xf32> to vector<16xf32>
      %swap3A_629 = vector.shape_cast %add3A_621 : vector<16xf32> to vector<16xf32>
      tpu.vector_store %arg8[%swap3A_626], %swap3A_629 {strides = array<i32>} : memref<32xf32, #tpu.memory_space<vmem>>, vector<16xf32>,
      %get3A_630 = arith.constant 4 : index
      %get3A_631 = tpu.vector_load %arg8[%get3A_630] {strides = array<i32>} : memref<32xf32, #tpu.memory_space<vmem>>, vector<16xf32>,
      %get3A_632 = vector.shape_cast %get3A_631 : vector<16xf32> to vector<16xf32>
      %add3A_633 = arith.addf %add3A_621, %get3A_632 : vector<16xf32>
      %swap3A_634 = arith.constant 0 : index
      %swap3A_635 = tpu.vector_load %arg8[%swap3A_634] {strides = array<i32>} : memref<32xf32, #tpu.memory_space<vmem>>, vector<16xf32>,
      %swap3A_636 = vector.shape_cast %swap3A_635 : vector<16xf32> to vector<16xf32>
      %swap3A_637 = vector.shape_cast %add3A_633 : vector<16xf32> to vector<16xf32>
      tpu.vector_store %arg8[%swap3A_634], %swap3A_637 {strides = array<i32>} : memref<32xf32, #tpu.memory_space<vmem>>, vector<16xf32>,
      %swap3A_638 = arith.constant 16 : index
      %swap3A_639 = tpu.vector_load %arg8[%swap3A_638] {strides = array<i32>} : memref<32xf32, #tpu.memory_space<vmem>>, vector<16xf32>,
      %swap3A_640 = vector.shape_cast %swap3A_639 : vector<16xf32> to vector<16xf32>
      %swap3A_641 = vector.shape_cast %add3A_633 : vector<16xf32> to vector<16xf32>
      tpu.vector_store %arg8[%swap3A_638], %swap3A_641 {strides = array<i32>} : memref<32xf32, #tpu.memory_space<vmem>>, vector<16xf32>,
      %get3A_642 = arith.constant 2 : index
      %get3A_643 = tpu.vector_load %arg8[%get3A_642] {strides = array<i32>} : memref<32xf32, #tpu.memory_space<vmem>>, vector<16xf32>,
      %get3A_644 = vector.shape_cast %get3A_643 : vector<16xf32> to vector<16xf32>
      %add3A_645 = arith.addf %add3A_633, %get3A_644 : vector<16xf32>
      %swap3A_646 = arith.constant 0 : index
      %swap3A_647 = tpu.vector_load %arg8[%swap3A_646] {strides = array<i32>} : memref<32xf32, #tpu.memory_space<vmem>>, vector<16xf32>,
      %swap3A_648 = vector.shape_cast %swap3A_647 : vector<16xf32> to vector<16xf32>
      %swap3A_649 = vector.shape_cast %add3A_645 : vector<16xf32> to vector<16xf32>
      tpu.vector_store %arg8[%swap3A_646], %swap3A_649 {strides = array<i32>} : memref<32xf32, #tpu.memory_space<vmem>>, vector<16xf32>,
      %swap3A_650 = arith.constant 16 : index
      %swap3A_651 = tpu.vector_load %arg8[%swap3A_650] {strides = array<i32>} : memref<32xf32, #tpu.memory_space<vmem>>, vector<16xf32>,
      %swap3A_652 = vector.shape_cast %swap3A_651 : vector<16xf32> to vector<16xf32>
      %swap3A_653 = vector.shape_cast %add3A_645 : vector<16xf32> to vector<16xf32>
      tpu.vector_store %arg8[%swap3A_650], %swap3A_653 {strides = array<i32>} : memref<32xf32, #tpu.memory_space<vmem>>, vector<16xf32>,
      %get3A_654 = arith.constant 1 : index
      %get3A_655 = tpu.vector_load %arg8[%get3A_654] {strides = array<i32>} : memref<32xf32, #tpu.memory_space<vmem>>, vector<16xf32>,
      %get3A_656 = vector.shape_cast %get3A_655 : vector<16xf32> to vector<16xf32>
      %add3A_657 = arith.addf %add3A_645, %get3A_656 : vector<16xf32>
      %broadcast_in_dim3A_658 = arith.constant 1.000000e+00 : f32
      %broadcast_in_dim3A_659 = vector.broadcast %broadcast_in_dim3A_658 : f32 to vector<16xf32>
      %div3A_660 = arith.divf %add3A_657, %broadcast_in_dim3A_659 : vector<16xf32>
      %add3A_661 = arith.addf %broadcast_in_dim3A_659, %div3A_660 : vector<16xf32>
      %mul3A_662 = arith.constant 5.000000e-01 : f32
      %mul3A_663 = vector.broadcast %mul3A_662 : f32 to vector<16xf32>
      %mul3A_664 = arith.mulf %mul3A_663, %add3A_661 : vector<16xf32>
      %div3A_665 = arith.divf %add3A_657, %mul3A_664 : vector<16xf32>
      %add3A_666 = arith.addf %mul3A_664, %div3A_665 : vector<16xf32>
      %mul3A_667 = arith.constant 5.000000e-01 : f32
      %mul3A_668 = vector.broadcast %mul3A_667 : f32 to vector<16xf32>
      %mul3A_669 = arith.mulf %mul3A_668, %add3A_666 : vector<16xf32>
      %div3A_670 = arith.divf %add3A_657, %mul3A_669 : vector<16xf32>
      %add3A_671 = arith.addf %mul3A_669, %div3A_670 : vector<16xf32>
      %mul3A_672 = arith.constant 5.000000e-01 : f32
      %mul3A_673 = vector.broadcast %mul3A_672 : f32 to vector<16xf32>
      %mul3A_674 = arith.mulf %mul3A_673, %add3A_671 : vector<16xf32>
      %div3A_675 = arith.divf %add3A_657, %mul3A_674 : vector<16xf32>
      %add3A_676 = arith.addf %mul3A_674, %div3A_675 : vector<16xf32>
      %mul3A_677 = arith.constant 5.000000e-01 : f32
      %mul3A_678 = vector.broadcast %mul3A_677 : f32 to vector<16xf32>
      %mul3A_679 = arith.mulf %mul3A_678, %add3A_676 : vector<16xf32>
      %max3A_680 = arith.constant 9.99999996E-13 : f32
      %max3A_681 = vector.broadcast %max3A_680 : f32 to vector<16xf32>
      %max3A_682 = arith.maximumf %mul3A_679, %max3A_681 : vector<16xf32>
      %div3A_683 = arith.constant 1.000000e+00 : f32
      %div3A_684 = vector.broadcast %div3A_683 : f32 to vector<16xf32>
      %div3A_685 = arith.divf %div3A_684, %max3A_682 : vector<16xf32>
      %get3A_686 = arith.constant 1 : i32
      %get3A_687 = arith.index_cast %get3A_686 : i32 to index
      %get3A_688 = arith.constant 0 : index
      %get3A_689 = tpu.vector_load %arg7[%get3A_687, %get3A_688] {strides = array<i32>} : memref<4x128xf32, #tpu.memory_space<vmem>>, vector<1x16xf32>,
      %get3A_690 = vector.shape_cast %get3A_689 : vector<1x16xf32> to vector<16xf32>
      %mul3A_691 = arith.mulf %get3A_690, %div3A_685 : vector<16xf32>
      %swap3A_692 = arith.constant 1 : i32
      %swap3A_693 = arith.index_cast %swap3A_692 : i32 to index
      %swap3A_694 = arith.constant 0 : index
      %swap3A_695 = tpu.vector_load %arg7[%swap3A_693, %swap3A_694] {strides = array<i32>} : memref<4x128xf32, #tpu.memory_space<vmem>>, vector<1x16xf32>,
      %swap3A_696 = vector.shape_cast %swap3A_695 : vector<1x16xf32> to vector<16xf32>
      %swap3A_697 = vector.shape_cast %mul3A_691 : vector<16xf32> to vector<1x16xf32>
      tpu.vector_store %arg7[%swap3A_693, %swap3A_694], %swap3A_697 {strides = array<i32>} : memref<4x128xf32, #tpu.memory_space<vmem>>, vector<1x16xf32>,
      %get3A_698 = arith.constant 1 : i32
      %get3A_699 = arith.index_cast %get3A_698 : i32 to index
      %get3A_700 = arith.constant 16 : index
      %get3A_701 = tpu.vector_load %arg7[%get3A_699, %get3A_700] {strides = array<i32>} : memref<4x128xf32, #tpu.memory_space<vmem>>, vector<1x16xf32>,
      %get3A_702 = vector.shape_cast %get3A_701 : vector<1x16xf32> to vector<16xf32>
      %mul3A_703 = arith.mulf %get3A_702, %div3A_685 : vector<16xf32>
      %swap3A_704 = arith.constant 1 : i32
      %swap3A_705 = arith.index_cast %swap3A_704 : i32 to index
      %swap3A_706 = arith.constant 16 : index
      %swap3A_707 = tpu.vector_load %arg7[%swap3A_705, %swap3A_706] {strides = array<i32>} : memref<4x128xf32, #tpu.memory_space<vmem>>, vector<1x16xf32>,
      %swap3A_708 = vector.shape_cast %swap3A_707 : vector<1x16xf32> to vector<16xf32>
      %swap3A_709 = vector.shape_cast %mul3A_703 : vector<16xf32> to vector<1x16xf32>
      tpu.vector_store %arg7[%swap3A_705, %swap3A_706], %swap3A_709 {strides = array<i32>} : memref<4x128xf32, #tpu.memory_space<vmem>>, vector<1x16xf32>,
      %get3A_710 = arith.constant 1 : i32
      %get3A_711 = arith.index_cast %get3A_710 : i32 to index
      %get3A_712 = arith.constant 32 : index
      %get3A_713 = tpu.vector_load %arg7[%get3A_711, %get3A_712] {strides = array<i32>} : memref<4x128xf32, #tpu.memory_space<vmem>>, vector<1x16xf32>,
      %get3A_714 = vector.shape_cast %get3A_713 : vector<1x16xf32> to vector<16xf32>
      %mul3A_715 = arith.mulf %get3A_714, %div3A_685 : vector<16xf32>
      %swap3A_716 = arith.constant 1 : i32
      %swap3A_717 = arith.index_cast %swap3A_716 : i32 to index
      %swap3A_718 = arith.constant 32 : index
      %swap3A_719 = tpu.vector_load %arg7[%swap3A_717, %swap3A_718] {strides = array<i32>} : memref<4x128xf32, #tpu.memory_space<vmem>>, vector<1x16xf32>,
      %swap3A_720 = vector.shape_cast %swap3A_719 : vector<1x16xf32> to vector<16xf32>
      %swap3A_721 = vector.shape_cast %mul3A_715 : vector<16xf32> to vector<1x16xf32>
      tpu.vector_store %arg7[%swap3A_717, %swap3A_718], %swap3A_721 {strides = array<i32>} : memref<4x128xf32, #tpu.memory_space<vmem>>, vector<1x16xf32>,
      %get3A_722 = arith.constant 1 : i32
      %get3A_723 = arith.index_cast %get3A_722 : i32 to index
      %get3A_724 = arith.constant 48 : index
      %get3A_725 = tpu.vector_load %arg7[%get3A_723, %get3A_724] {strides = array<i32>} : memref<4x128xf32, #tpu.memory_space<vmem>>, vector<1x16xf32>,
      %get3A_726 = vector.shape_cast %get3A_725 : vector<1x16xf32> to vector<16xf32>
      %mul3A_727 = arith.mulf %get3A_726, %div3A_685 : vector<16xf32>
      %swap3A_728 = arith.constant 1 : i32
      %swap3A_729 = arith.index_cast %swap3A_728 : i32 to index
      %swap3A_730 = arith.constant 48 : index
      %swap3A_731 = tpu.vector_load %arg7[%swap3A_729, %swap3A_730] {strides = array<i32>} : memref<4x128xf32, #tpu.memory_space<vmem>>, vector<1x16xf32>,
      %swap3A_732 = vector.shape_cast %swap3A_731 : vector<1x16xf32> to vector<16xf32>
      %swap3A_733 = vector.shape_cast %mul3A_727 : vector<16xf32> to vector<1x16xf32>
      tpu.vector_store %arg7[%swap3A_729, %swap3A_730], %swap3A_733 {strides = array<i32>} : memref<4x128xf32, #tpu.memory_space<vmem>>, vector<1x16xf32>,
      %get3A_734 = arith.constant 1 : i32
      %get3A_735 = arith.index_cast %get3A_734 : i32 to index
      %get3A_736 = arith.constant 64 : index
      %get3A_737 = tpu.vector_load %arg7[%get3A_735, %get3A_736] {strides = array<i32>} : memref<4x128xf32, #tpu.memory_space<vmem>>, vector<1x16xf32>,
      %get3A_738 = vector.shape_cast %get3A_737 : vector<1x16xf32> to vector<16xf32>
      %mul3A_739 = arith.mulf %get3A_738, %div3A_685 : vector<16xf32>
      %swap3A_740 = arith.constant 1 : i32
      %swap3A_741 = arith.index_cast %swap3A_740 : i32 to index
      %swap3A_742 = arith.constant 64 : index
      %swap3A_743 = tpu.vector_load %arg7[%swap3A_741, %swap3A_742] {strides = array<i32>} : memref<4x128xf32, #tpu.memory_space<vmem>>, vector<1x16xf32>,
      %swap3A_744 = vector.shape_cast %swap3A_743 : vector<1x16xf32> to vector<16xf32>
      %swap3A_745 = vector.shape_cast %mul3A_739 : vector<16xf32> to vector<1x16xf32>
      tpu.vector_store %arg7[%swap3A_741, %swap3A_742], %swap3A_745 {strides = array<i32>} : memref<4x128xf32, #tpu.memory_space<vmem>>, vector<1x16xf32>,
      %get3A_746 = arith.constant 1 : i32
      %get3A_747 = arith.index_cast %get3A_746 : i32 to index
      %get3A_748 = arith.constant 80 : index
      %get3A_749 = tpu.vector_load %arg7[%get3A_747, %get3A_748] {strides = array<i32>} : memref<4x128xf32, #tpu.memory_space<vmem>>, vector<1x16xf32>,
      %get3A_750 = vector.shape_cast %get3A_749 : vector<1x16xf32> to vector<16xf32>
      %mul3A_751 = arith.mulf %get3A_750, %div3A_685 : vector<16xf32>
      %swap3A_752 = arith.constant 1 : i32
      %swap3A_753 = arith.index_cast %swap3A_752 : i32 to index
      %swap3A_754 = arith.constant 80 : index
      %swap3A_755 = tpu.vector_load %arg7[%swap3A_753, %swap3A_754] {strides = array<i32>} : memref<4x128xf32, #tpu.memory_space<vmem>>, vector<1x16xf32>,
      %swap3A_756 = vector.shape_cast %swap3A_755 : vector<1x16xf32> to vector<16xf32>
      %swap3A_757 = vector.shape_cast %mul3A_751 : vector<16xf32> to vector<1x16xf32>
      tpu.vector_store %arg7[%swap3A_753, %swap3A_754], %swap3A_757 {strides = array<i32>} : memref<4x128xf32, #tpu.memory_space<vmem>>, vector<1x16xf32>,
      %get3A_758 = arith.constant 1 : i32
      %get3A_759 = arith.index_cast %get3A_758 : i32 to index
      %get3A_760 = arith.constant 96 : index
      %get3A_761 = tpu.vector_load %arg7[%get3A_759, %get3A_760] {strides = array<i32>} : memref<4x128xf32, #tpu.memory_space<vmem>>, vector<1x16xf32>,
      %get3A_762 = vector.shape_cast %get3A_761 : vector<1x16xf32> to vector<16xf32>
      %mul3A_763 = arith.mulf %get3A_762, %div3A_685 : vector<16xf32>
      %swap3A_764 = arith.constant 1 : i32
      %swap3A_765 = arith.index_cast %swap3A_764 : i32 to index
      %swap3A_766 = arith.constant 96 : index
      %swap3A_767 = tpu.vector_load %arg7[%swap3A_765, %swap3A_766] {strides = array<i32>} : memref<4x128xf32, #tpu.memory_space<vmem>>, vector<1x16xf32>,
      %swap3A_768 = vector.shape_cast %swap3A_767 : vector<1x16xf32> to vector<16xf32>
      %swap3A_769 = vector.shape_cast %mul3A_763 : vector<16xf32> to vector<1x16xf32>
      tpu.vector_store %arg7[%swap3A_765, %swap3A_766], %swap3A_769 {strides = array<i32>} : memref<4x128xf32, #tpu.memory_space<vmem>>, vector<1x16xf32>,
      %get3A_770 = arith.constant 1 : i32
      %get3A_771 = arith.index_cast %get3A_770 : i32 to index
      %get3A_772 = arith.constant 112 : index
      %get3A_773 = tpu.vector_load %arg7[%get3A_771, %get3A_772] {strides = array<i32>} : memref<4x128xf32, #tpu.memory_space<vmem>>, vector<1x16xf32>,
      %get3A_774 = vector.shape_cast %get3A_773 : vector<1x16xf32> to vector<16xf32>
      %mul3A_775 = arith.mulf %get3A_774, %div3A_685 : vector<16xf32>
      %swap3A_776 = arith.constant 1 : i32
      %swap3A_777 = arith.index_cast %swap3A_776 : i32 to index
      %swap3A_778 = arith.constant 112 : index
      %swap3A_779 = tpu.vector_load %arg7[%swap3A_777, %swap3A_778] {strides = array<i32>} : memref<4x128xf32, #tpu.memory_space<vmem>>, vector<1x16xf32>,
      %swap3A_780 = vector.shape_cast %swap3A_779 : vector<1x16xf32> to vector<16xf32>
      %swap3A_781 = vector.shape_cast %mul3A_775 : vector<16xf32> to vector<1x16xf32>
      tpu.vector_store %arg7[%swap3A_777, %swap3A_778], %swap3A_781 {strides = array<i32>} : memref<4x128xf32, #tpu.memory_space<vmem>>, vector<1x16xf32>,
      %broadcast_in_dim3A_782 = arith.constant 0.000000e+00 : f32
      %broadcast_in_dim3A_783 = vector.broadcast %broadcast_in_dim3A_782 : f32 to vector<16xf32>
      %get3A_784 = arith.constant 2 : i32
      %get3A_785 = arith.index_cast %get3A_784 : i32 to index
      %get3A_786 = arith.constant 0 : index
      %get3A_787 = tpu.vector_load %arg7[%get3A_785, %get3A_786] {strides = array<i32>} : memref<4x128xf32, #tpu.memory_space<vmem>>, vector<1x16xf32>,
      %get3A_788 = vector.shape_cast %get3A_787 : vector<1x16xf32> to vector<16xf32>
      %mul3A_789 = arith.mulf %get3A_788, %get3A_788 : vector<16xf32>
      %add3A_790 = arith.addf %broadcast_in_dim3A_783, %mul3A_789 : vector<16xf32>
      %get3A_791 = arith.constant 2 : i32
      %get3A_792 = arith.index_cast %get3A_791 : i32 to index
      %get3A_793 = arith.constant 16 : index
      %get3A_794 = tpu.vector_load %arg7[%get3A_792, %get3A_793] {strides = array<i32>} : memref<4x128xf32, #tpu.memory_space<vmem>>, vector<1x16xf32>,
      %get3A_795 = vector.shape_cast %get3A_794 : vector<1x16xf32> to vector<16xf32>
      %mul3A_796 = arith.mulf %get3A_795, %get3A_795 : vector<16xf32>
      %add3A_797 = arith.addf %add3A_790, %mul3A_796 : vector<16xf32>
      %get3A_798 = arith.constant 2 : i32
      %get3A_799 = arith.index_cast %get3A_798 : i32 to index
      %get3A_800 = arith.constant 32 : index
      %get3A_801 = tpu.vector_load %arg7[%get3A_799, %get3A_800] {strides = array<i32>} : memref<4x128xf32, #tpu.memory_space<vmem>>, vector<1x16xf32>,
      %get3A_802 = vector.shape_cast %get3A_801 : vector<1x16xf32> to vector<16xf32>
      %mul3A_803 = arith.mulf %get3A_802, %get3A_802 : vector<16xf32>
      %add3A_804 = arith.addf %add3A_797, %mul3A_803 : vector<16xf32>
      %get3A_805 = arith.constant 2 : i32
      %get3A_806 = arith.index_cast %get3A_805 : i32 to index
      %get3A_807 = arith.constant 48 : index
      %get3A_808 = tpu.vector_load %arg7[%get3A_806, %get3A_807] {strides = array<i32>} : memref<4x128xf32, #tpu.memory_space<vmem>>, vector<1x16xf32>,
      %get3A_809 = vector.shape_cast %get3A_808 : vector<1x16xf32> to vector<16xf32>
      %mul3A_810 = arith.mulf %get3A_809, %get3A_809 : vector<16xf32>
      %add3A_811 = arith.addf %add3A_804, %mul3A_810 : vector<16xf32>
      %get3A_812 = arith.constant 2 : i32
      %get3A_813 = arith.index_cast %get3A_812 : i32 to index
      %get3A_814 = arith.constant 64 : index
      %get3A_815 = tpu.vector_load %arg7[%get3A_813, %get3A_814] {strides = array<i32>} : memref<4x128xf32, #tpu.memory_space<vmem>>, vector<1x16xf32>,
      %get3A_816 = vector.shape_cast %get3A_815 : vector<1x16xf32> to vector<16xf32>
      %mul3A_817 = arith.mulf %get3A_816, %get3A_816 : vector<16xf32>
      %add3A_818 = arith.addf %add3A_811, %mul3A_817 : vector<16xf32>
      %get3A_819 = arith.constant 2 : i32
      %get3A_820 = arith.index_cast %get3A_819 : i32 to index
      %get3A_821 = arith.constant 80 : index
      %get3A_822 = tpu.vector_load %arg7[%get3A_820, %get3A_821] {strides = array<i32>} : memref<4x128xf32, #tpu.memory_space<vmem>>, vector<1x16xf32>,
      %get3A_823 = vector.shape_cast %get3A_822 : vector<1x16xf32> to vector<16xf32>
      %mul3A_824 = arith.mulf %get3A_823, %get3A_823 : vector<16xf32>
      %add3A_825 = arith.addf %add3A_818, %mul3A_824 : vector<16xf32>
      %get3A_826 = arith.constant 2 : i32
      %get3A_827 = arith.index_cast %get3A_826 : i32 to index
      %get3A_828 = arith.constant 96 : index
      %get3A_829 = tpu.vector_load %arg7[%get3A_827, %get3A_828] {strides = array<i32>} : memref<4x128xf32, #tpu.memory_space<vmem>>, vector<1x16xf32>,
      %get3A_830 = vector.shape_cast %get3A_829 : vector<1x16xf32> to vector<16xf32>
      %mul3A_831 = arith.mulf %get3A_830, %get3A_830 : vector<16xf32>
      %add3A_832 = arith.addf %add3A_825, %mul3A_831 : vector<16xf32>
      %get3A_833 = arith.constant 2 : i32
      %get3A_834 = arith.index_cast %get3A_833 : i32 to index
      %get3A_835 = arith.constant 112 : index
      %get3A_836 = tpu.vector_load %arg7[%get3A_834, %get3A_835] {strides = array<i32>} : memref<4x128xf32, #tpu.memory_space<vmem>>, vector<1x16xf32>,
      %get3A_837 = vector.shape_cast %get3A_836 : vector<1x16xf32> to vector<16xf32>
      %mul3A_838 = arith.mulf %get3A_837, %get3A_837 : vector<16xf32>
      %add3A_839 = arith.addf %add3A_832, %mul3A_838 : vector<16xf32>
      %swap3A_840 = arith.constant 0 : index
      %swap3A_841 = tpu.vector_load %arg8[%swap3A_840] {strides = array<i32>} : memref<32xf32, #tpu.memory_space<vmem>>, vector<16xf32>,
      %swap3A_842 = vector.shape_cast %swap3A_841 : vector<16xf32> to vector<16xf32>
      %swap3A_843 = vector.shape_cast %add3A_839 : vector<16xf32> to vector<16xf32>
      tpu.vector_store %arg8[%swap3A_840], %swap3A_843 {strides = array<i32>} : memref<32xf32, #tpu.memory_space<vmem>>, vector<16xf32>,
      %swap3A_844 = arith.constant 16 : index
      %swap3A_845 = tpu.vector_load %arg8[%swap3A_844] {strides = array<i32>} : memref<32xf32, #tpu.memory_space<vmem>>, vector<16xf32>,
      %swap3A_846 = vector.shape_cast %swap3A_845 : vector<16xf32> to vector<16xf32>
      %swap3A_847 = vector.shape_cast %add3A_839 : vector<16xf32> to vector<16xf32>
      tpu.vector_store %arg8[%swap3A_844], %swap3A_847 {strides = array<i32>} : memref<32xf32, #tpu.memory_space<vmem>>, vector<16xf32>,
      %get3A_848 = arith.constant 8 : index
      %get3A_849 = tpu.vector_load %arg8[%get3A_848] {strides = array<i32>} : memref<32xf32, #tpu.memory_space<vmem>>, vector<16xf32>,
      %get3A_850 = vector.shape_cast %get3A_849 : vector<16xf32> to vector<16xf32>
      %add3A_851 = arith.addf %add3A_839, %get3A_850 : vector<16xf32>
      %swap3A_852 = arith.constant 0 : index
      %swap3A_853 = tpu.vector_load %arg8[%swap3A_852] {strides = array<i32>} : memref<32xf32, #tpu.memory_space<vmem>>, vector<16xf32>,
      %swap3A_854 = vector.shape_cast %swap3A_853 : vector<16xf32> to vector<16xf32>
      %swap3A_855 = vector.shape_cast %add3A_851 : vector<16xf32> to vector<16xf32>
      tpu.vector_store %arg8[%swap3A_852], %swap3A_855 {strides = array<i32>} : memref<32xf32, #tpu.memory_space<vmem>>, vector<16xf32>,
      %swap3A_856 = arith.constant 16 : index
      %swap3A_857 = tpu.vector_load %arg8[%swap3A_856] {strides = array<i32>} : memref<32xf32, #tpu.memory_space<vmem>>, vector<16xf32>,
      %swap3A_858 = vector.shape_cast %swap3A_857 : vector<16xf32> to vector<16xf32>
      %swap3A_859 = vector.shape_cast %add3A_851 : vector<16xf32> to vector<16xf32>
      tpu.vector_store %arg8[%swap3A_856], %swap3A_859 {strides = array<i32>} : memref<32xf32, #tpu.memory_space<vmem>>, vector<16xf32>,
      %get3A_860 = arith.constant 4 : index
      %get3A_861 = tpu.vector_load %arg8[%get3A_860] {strides = array<i32>} : memref<32xf32, #tpu.memory_space<vmem>>, vector<16xf32>,
      %get3A_862 = vector.shape_cast %get3A_861 : vector<16xf32> to vector<16xf32>
      %add3A_863 = arith.addf %add3A_851, %get3A_862 : vector<16xf32>
      %swap3A_864 = arith.constant 0 : index
      %swap3A_865 = tpu.vector_load %arg8[%swap3A_864] {strides = array<i32>} : memref<32xf32, #tpu.memory_space<vmem>>, vector<16xf32>,
      %swap3A_866 = vector.shape_cast %swap3A_865 : vector<16xf32> to vector<16xf32>
      %swap3A_867 = vector.shape_cast %add3A_863 : vector<16xf32> to vector<16xf32>
      tpu.vector_store %arg8[%swap3A_864], %swap3A_867 {strides = array<i32>} : memref<32xf32, #tpu.memory_space<vmem>>, vector<16xf32>,
      %swap3A_868 = arith.constant 16 : index
      %swap3A_869 = tpu.vector_load %arg8[%swap3A_868] {strides = array<i32>} : memref<32xf32, #tpu.memory_space<vmem>>, vector<16xf32>,
      %swap3A_870 = vector.shape_cast %swap3A_869 : vector<16xf32> to vector<16xf32>
      %swap3A_871 = vector.shape_cast %add3A_863 : vector<16xf32> to vector<16xf32>
      tpu.vector_store %arg8[%swap3A_868], %swap3A_871 {strides = array<i32>} : memref<32xf32, #tpu.memory_space<vmem>>, vector<16xf32>,
      %get3A_872 = arith.constant 2 : index
      %get3A_873 = tpu.vector_load %arg8[%get3A_872] {strides = array<i32>} : memref<32xf32, #tpu.memory_space<vmem>>, vector<16xf32>,
      %get3A_874 = vector.shape_cast %get3A_873 : vector<16xf32> to vector<16xf32>
      %add3A_875 = arith.addf %add3A_863, %get3A_874 : vector<16xf32>
      %swap3A_876 = arith.constant 0 : index
      %swap3A_877 = tpu.vector_load %arg8[%swap3A_876] {strides = array<i32>} : memref<32xf32, #tpu.memory_space<vmem>>, vector<16xf32>,
      %swap3A_878 = vector.shape_cast %swap3A_877 : vector<16xf32> to vector<16xf32>
      %swap3A_879 = vector.shape_cast %add3A_875 : vector<16xf32> to vector<16xf32>
      tpu.vector_store %arg8[%swap3A_876], %swap3A_879 {strides = array<i32>} : memref<32xf32, #tpu.memory_space<vmem>>, vector<16xf32>,
      %swap3A_880 = arith.constant 16 : index
      %swap3A_881 = tpu.vector_load %arg8[%swap3A_880] {strides = array<i32>} : memref<32xf32, #tpu.memory_space<vmem>>, vector<16xf32>,
      %swap3A_882 = vector.shape_cast %swap3A_881 : vector<16xf32> to vector<16xf32>
      %swap3A_883 = vector.shape_cast %add3A_875 : vector<16xf32> to vector<16xf32>
      tpu.vector_store %arg8[%swap3A_880], %swap3A_883 {strides = array<i32>} : memref<32xf32, #tpu.memory_space<vmem>>, vector<16xf32>,
      %get3A_884 = arith.constant 1 : index
      %get3A_885 = tpu.vector_load %arg8[%get3A_884] {strides = array<i32>} : memref<32xf32, #tpu.memory_space<vmem>>, vector<16xf32>,
      %get3A_886 = vector.shape_cast %get3A_885 : vector<16xf32> to vector<16xf32>
      %add3A_887 = arith.addf %add3A_875, %get3A_886 : vector<16xf32>
      %broadcast_in_dim3A_888 = arith.constant 1.000000e+00 : f32
      %broadcast_in_dim3A_889 = vector.broadcast %broadcast_in_dim3A_888 : f32 to vector<16xf32>
      %div3A_890 = arith.divf %add3A_887, %broadcast_in_dim3A_889 : vector<16xf32>
      %add3A_891 = arith.addf %broadcast_in_dim3A_889, %div3A_890 : vector<16xf32>
      %mul3A_892 = arith.constant 5.000000e-01 : f32
      %mul3A_893 = vector.broadcast %mul3A_892 : f32 to vector<16xf32>
      %mul3A_894 = arith.mulf %mul3A_893, %add3A_891 : vector<16xf32>
      %div3A_895 = arith.divf %add3A_887, %mul3A_894 : vector<16xf32>
      %add3A_896 = arith.addf %mul3A_894, %div3A_895 : vector<16xf32>
      %mul3A_897 = arith.constant 5.000000e-01 : f32
      %mul3A_898 = vector.broadcast %mul3A_897 : f32 to vector<16xf32>
      %mul3A_899 = arith.mulf %mul3A_898, %add3A_896 : vector<16xf32>
      %div3A_900 = arith.divf %add3A_887, %mul3A_899 : vector<16xf32>
      %add3A_901 = arith.addf %mul3A_899, %div3A_900 : vector<16xf32>
      %mul3A_902 = arith.constant 5.000000e-01 : f32
      %mul3A_903 = vector.broadcast %mul3A_902 : f32 to vector<16xf32>
      %mul3A_904 = arith.mulf %mul3A_903, %add3A_901 : vector<16xf32>
      %div3A_905 = arith.divf %add3A_887, %mul3A_904 : vector<16xf32>
      %add3A_906 = arith.addf %mul3A_904, %div3A_905 : vector<16xf32>
      %mul3A_907 = arith.constant 5.000000e-01 : f32
      %mul3A_908 = vector.broadcast %mul3A_907 : f32 to vector<16xf32>
      %mul3A_909 = arith.mulf %mul3A_908, %add3A_906 : vector<16xf32>
      %max3A_910 = arith.constant 9.99999996E-13 : f32
      %max3A_911 = vector.broadcast %max3A_910 : f32 to vector<16xf32>
      %max3A_912 = arith.maximumf %mul3A_909, %max3A_911 : vector<16xf32>
      %div3A_913 = arith.constant 1.000000e+00 : f32
      %div3A_914 = vector.broadcast %div3A_913 : f32 to vector<16xf32>
      %div3A_915 = arith.divf %div3A_914, %max3A_912 : vector<16xf32>
      %get3A_916 = arith.constant 2 : i32
      %get3A_917 = arith.index_cast %get3A_916 : i32 to index
      %get3A_918 = arith.constant 0 : index
      %get3A_919 = tpu.vector_load %arg7[%get3A_917, %get3A_918] {strides = array<i32>} : memref<4x128xf32, #tpu.memory_space<vmem>>, vector<1x16xf32>,
      %get3A_920 = vector.shape_cast %get3A_919 : vector<1x16xf32> to vector<16xf32>
      %mul3A_921 = arith.mulf %get3A_920, %div3A_915 : vector<16xf32>
      %swap3A_922 = arith.constant 2 : i32
      %swap3A_923 = arith.index_cast %swap3A_922 : i32 to index
      %swap3A_924 = arith.constant 0 : index
      %swap3A_925 = tpu.vector_load %arg7[%swap3A_923, %swap3A_924] {strides = array<i32>} : memref<4x128xf32, #tpu.memory_space<vmem>>, vector<1x16xf32>,
      %swap3A_926 = vector.shape_cast %swap3A_925 : vector<1x16xf32> to vector<16xf32>
      %swap3A_927 = vector.shape_cast %mul3A_921 : vector<16xf32> to vector<1x16xf32>
      tpu.vector_store %arg7[%swap3A_923, %swap3A_924], %swap3A_927 {strides = array<i32>} : memref<4x128xf32, #tpu.memory_space<vmem>>, vector<1x16xf32>,
      %get3A_928 = arith.constant 2 : i32
      %get3A_929 = arith.index_cast %get3A_928 : i32 to index
      %get3A_930 = arith.constant 16 : index
      %get3A_931 = tpu.vector_load %arg7[%get3A_929, %get3A_930] {strides = array<i32>} : memref<4x128xf32, #tpu.memory_space<vmem>>, vector<1x16xf32>,
      %get3A_932 = vector.shape_cast %get3A_931 : vector<1x16xf32> to vector<16xf32>
      %mul3A_933 = arith.mulf %get3A_932, %div3A_915 : vector<16xf32>
      %swap3A_934 = arith.constant 2 : i32
      %swap3A_935 = arith.index_cast %swap3A_934 : i32 to index
      %swap3A_936 = arith.constant 16 : index
      %swap3A_937 = tpu.vector_load %arg7[%swap3A_935, %swap3A_936] {strides = array<i32>} : memref<4x128xf32, #tpu.memory_space<vmem>>, vector<1x16xf32>,
      %swap3A_938 = vector.shape_cast %swap3A_937 : vector<1x16xf32> to vector<16xf32>
      %swap3A_939 = vector.shape_cast %mul3A_933 : vector<16xf32> to vector<1x16xf32>
      tpu.vector_store %arg7[%swap3A_935, %swap3A_936], %swap3A_939 {strides = array<i32>} : memref<4x128xf32, #tpu.memory_space<vmem>>, vector<1x16xf32>,
      %get3A_940 = arith.constant 2 : i32
      %get3A_941 = arith.index_cast %get3A_940 : i32 to index
      %get3A_942 = arith.constant 32 : index
      %get3A_943 = tpu.vector_load %arg7[%get3A_941, %get3A_942] {strides = array<i32>} : memref<4x128xf32, #tpu.memory_space<vmem>>, vector<1x16xf32>,
      %get3A_944 = vector.shape_cast %get3A_943 : vector<1x16xf32> to vector<16xf32>
      %mul3A_945 = arith.mulf %get3A_944, %div3A_915 : vector<16xf32>
      %swap3A_946 = arith.constant 2 : i32
      %swap3A_947 = arith.index_cast %swap3A_946 : i32 to index
      %swap3A_948 = arith.constant 32 : index
      %swap3A_949 = tpu.vector_load %arg7[%swap3A_947, %swap3A_948] {strides = array<i32>} : memref<4x128xf32, #tpu.memory_space<vmem>>, vector<1x16xf32>,
      %swap3A_950 = vector.shape_cast %swap3A_949 : vector<1x16xf32> to vector<16xf32>
      %swap3A_951 = vector.shape_cast %mul3A_945 : vector<16xf32> to vector<1x16xf32>
      tpu.vector_store %arg7[%swap3A_947, %swap3A_948], %swap3A_951 {strides = array<i32>} : memref<4x128xf32, #tpu.memory_space<vmem>>, vector<1x16xf32>,
      %get3A_952 = arith.constant 2 : i32
      %get3A_953 = arith.index_cast %get3A_952 : i32 to index
      %get3A_954 = arith.constant 48 : index
      %get3A_955 = tpu.vector_load %arg7[%get3A_953, %get3A_954] {strides = array<i32>} : memref<4x128xf32, #tpu.memory_space<vmem>>, vector<1x16xf32>,
      %get3A_956 = vector.shape_cast %get3A_955 : vector<1x16xf32> to vector<16xf32>
      %mul3A_957 = arith.mulf %get3A_956, %div3A_915 : vector<16xf32>
      %swap3A_958 = arith.constant 2 : i32
      %swap3A_959 = arith.index_cast %swap3A_958 : i32 to index
      %swap3A_960 = arith.constant 48 : index
      %swap3A_961 = tpu.vector_load %arg7[%swap3A_959, %swap3A_960] {strides = array<i32>} : memref<4x128xf32, #tpu.memory_space<vmem>>, vector<1x16xf32>,
      %swap3A_962 = vector.shape_cast %swap3A_961 : vector<1x16xf32> to vector<16xf32>
      %swap3A_963 = vector.shape_cast %mul3A_957 : vector<16xf32> to vector<1x16xf32>
      tpu.vector_store %arg7[%swap3A_959, %swap3A_960], %swap3A_963 {strides = array<i32>} : memref<4x128xf32, #tpu.memory_space<vmem>>, vector<1x16xf32>,
      %get3A_964 = arith.constant 2 : i32
      %get3A_965 = arith.index_cast %get3A_964 : i32 to index
      %get3A_966 = arith.constant 64 : index
      %get3A_967 = tpu.vector_load %arg7[%get3A_965, %get3A_966] {strides = array<i32>} : memref<4x128xf32, #tpu.memory_space<vmem>>, vector<1x16xf32>,
      %get3A_968 = vector.shape_cast %get3A_967 : vector<1x16xf32> to vector<16xf32>
      %mul3A_969 = arith.mulf %get3A_968, %div3A_915 : vector<16xf32>
      %swap3A_970 = arith.constant 2 : i32
      %swap3A_971 = arith.index_cast %swap3A_970 : i32 to index
      %swap3A_972 = arith.constant 64 : index
      %swap3A_973 = tpu.vector_load %arg7[%swap3A_971, %swap3A_972] {strides = array<i32>} : memref<4x128xf32, #tpu.memory_space<vmem>>, vector<1x16xf32>,
      %swap3A_974 = vector.shape_cast %swap3A_973 : vector<1x16xf32> to vector<16xf32>
      %swap3A_975 = vector.shape_cast %mul3A_969 : vector<16xf32> to vector<1x16xf32>
      tpu.vector_store %arg7[%swap3A_971, %swap3A_972], %swap3A_975 {strides = array<i32>} : memref<4x128xf32, #tpu.memory_space<vmem>>, vector<1x16xf32>,
      %get3A_976 = arith.constant 2 : i32
      %get3A_977 = arith.index_cast %get3A_976 : i32 to index
      %get3A_978 = arith.constant 80 : index
      %get3A_979 = tpu.vector_load %arg7[%get3A_977, %get3A_978] {strides = array<i32>} : memref<4x128xf32, #tpu.memory_space<vmem>>, vector<1x16xf32>,
      %get3A_980 = vector.shape_cast %get3A_979 : vector<1x16xf32> to vector<16xf32>
      %mul3A_981 = arith.mulf %get3A_980, %div3A_915 : vector<16xf32>
      %swap3A_982 = arith.constant 2 : i32
      %swap3A_983 = arith.index_cast %swap3A_982 : i32 to index
      %swap3A_984 = arith.constant 80 : index
      %swap3A_985 = tpu.vector_load %arg7[%swap3A_983, %swap3A_984] {strides = array<i32>} : memref<4x128xf32, #tpu.memory_space<vmem>>, vector<1x16xf32>,
      %swap3A_986 = vector.shape_cast %swap3A_985 : vector<1x16xf32> to vector<16xf32>
      %swap3A_987 = vector.shape_cast %mul3A_981 : vector<16xf32> to vector<1x16xf32>
      tpu.vector_store %arg7[%swap3A_983, %swap3A_984], %swap3A_987 {strides = array<i32>} : memref<4x128xf32, #tpu.memory_space<vmem>>, vector<1x16xf32>,
      %get3A_988 = arith.constant 2 : i32
      %get3A_989 = arith.index_cast %get3A_988 : i32 to index
      %get3A_990 = arith.constant 96 : index
      %get3A_991 = tpu.vector_load %arg7[%get3A_989, %get3A_990] {strides = array<i32>} : memref<4x128xf32, #tpu.memory_space<vmem>>, vector<1x16xf32>,
      %get3A_992 = vector.shape_cast %get3A_991 : vector<1x16xf32> to vector<16xf32>
      %mul3A_993 = arith.mulf %get3A_992, %div3A_915 : vector<16xf32>
      %swap3A_994 = arith.constant 2 : i32
      %swap3A_995 = arith.index_cast %swap3A_994 : i32 to index
      %swap3A_996 = arith.constant 96 : index
      %swap3A_997 = tpu.vector_load %arg7[%swap3A_995, %swap3A_996] {strides = array<i32>} : memref<4x128xf32, #tpu.memory_space<vmem>>, vector<1x16xf32>,
      %swap3A_998 = vector.shape_cast %swap3A_997 : vector<1x16xf32> to vector<16xf32>
      %swap3A_999 = vector.shape_cast %mul3A_993 : vector<16xf32> to vector<1x16xf32>
      tpu.vector_store %arg7[%swap3A_995, %swap3A_996], %swap3A_999 {strides = array<i32>} : memref<4x128xf32, #tpu.memory_space<vmem>>, vector<1x16xf32>,
      %get3A_1000 = arith.constant 2 : i32
      %get3A_1001 = arith.index_cast %get3A_1000 : i32 to index
      %get3A_1002 = arith.constant 112 : index
      %get3A_1003 = tpu.vector_load %arg7[%get3A_1001, %get3A_1002] {strides = array<i32>} : memref<4x128xf32, #tpu.memory_space<vmem>>, vector<1x16xf32>,
      %get3A_1004 = vector.shape_cast %get3A_1003 : vector<1x16xf32> to vector<16xf32>
      %mul3A_1005 = arith.mulf %get3A_1004, %div3A_915 : vector<16xf32>
      %swap3A_1006 = arith.constant 2 : i32
      %swap3A_1007 = arith.index_cast %swap3A_1006 : i32 to index
      %swap3A_1008 = arith.constant 112 : index
      %swap3A_1009 = tpu.vector_load %arg7[%swap3A_1007, %swap3A_1008] {strides = array<i32>} : memref<4x128xf32, #tpu.memory_space<vmem>>, vector<1x16xf32>,
      %swap3A_1010 = vector.shape_cast %swap3A_1009 : vector<1x16xf32> to vector<16xf32>
      %swap3A_1011 = vector.shape_cast %mul3A_1005 : vector<16xf32> to vector<1x16xf32>
      tpu.vector_store %arg7[%swap3A_1007, %swap3A_1008], %swap3A_1011 {strides = array<i32>} : memref<4x128xf32, #tpu.memory_space<vmem>>, vector<1x16xf32>,
      %broadcast_in_dim3A_1012 = arith.constant 0.000000e+00 : f32
      %broadcast_in_dim3A_1013 = vector.broadcast %broadcast_in_dim3A_1012 : f32 to vector<16xf32>
      %get3A_1014 = arith.constant 3 : i32
      %get3A_1015 = arith.index_cast %get3A_1014 : i32 to index
      %get3A_1016 = arith.constant 0 : index
      %get3A_1017 = tpu.vector_load %arg7[%get3A_1015, %get3A_1016] {strides = array<i32>} : memref<4x128xf32, #tpu.memory_space<vmem>>, vector<1x16xf32>,
      %get3A_1018 = vector.shape_cast %get3A_1017 : vector<1x16xf32> to vector<16xf32>
      %mul3A_1019 = arith.mulf %get3A_1018, %get3A_1018 : vector<16xf32>
      %add3A_1020 = arith.addf %broadcast_in_dim3A_1013, %mul3A_1019 : vector<16xf32>
      %get3A_1021 = arith.constant 3 : i32
      %get3A_1022 = arith.index_cast %get3A_1021 : i32 to index
      %get3A_1023 = arith.constant 16 : index
      %get3A_1024 = tpu.vector_load %arg7[%get3A_1022, %get3A_1023] {strides = array<i32>} : memref<4x128xf32, #tpu.memory_space<vmem>>, vector<1x16xf32>,
      %get3A_1025 = vector.shape_cast %get3A_1024 : vector<1x16xf32> to vector<16xf32>
      %mul3A_1026 = arith.mulf %get3A_1025, %get3A_1025 : vector<16xf32>
      %add3A_1027 = arith.addf %add3A_1020, %mul3A_1026 : vector<16xf32>
      %get3A_1028 = arith.constant 3 : i32
      %get3A_1029 = arith.index_cast %get3A_1028 : i32 to index
      %get3A_1030 = arith.constant 32 : index
      %get3A_1031 = tpu.vector_load %arg7[%get3A_1029, %get3A_1030] {strides = array<i32>} : memref<4x128xf32, #tpu.memory_space<vmem>>, vector<1x16xf32>,
      %get3A_1032 = vector.shape_cast %get3A_1031 : vector<1x16xf32> to vector<16xf32>
      %mul3A_1033 = arith.mulf %get3A_1032, %get3A_1032 : vector<16xf32>
      %add3A_1034 = arith.addf %add3A_1027, %mul3A_1033 : vector<16xf32>
      %get3A_1035 = arith.constant 3 : i32
      %get3A_1036 = arith.index_cast %get3A_1035 : i32 to index
      %get3A_1037 = arith.constant 48 : index
      %get3A_1038 = tpu.vector_load %arg7[%get3A_1036, %get3A_1037] {strides = array<i32>} : memref<4x128xf32, #tpu.memory_space<vmem>>, vector<1x16xf32>,
      %get3A_1039 = vector.shape_cast %get3A_1038 : vector<1x16xf32> to vector<16xf32>
      %mul3A_1040 = arith.mulf %get3A_1039, %get3A_1039 : vector<16xf32>
      %add3A_1041 = arith.addf %add3A_1034, %mul3A_1040 : vector<16xf32>
      %get3A_1042 = arith.constant 3 : i32
      %get3A_1043 = arith.index_cast %get3A_1042 : i32 to index
      %get3A_1044 = arith.constant 64 : index
      %get3A_1045 = tpu.vector_load %arg7[%get3A_1043, %get3A_1044] {strides = array<i32>} : memref<4x128xf32, #tpu.memory_space<vmem>>, vector<1x16xf32>,
      %get3A_1046 = vector.shape_cast %get3A_1045 : vector<1x16xf32> to vector<16xf32>
      %mul3A_1047 = arith.mulf %get3A_1046, %get3A_1046 : vector<16xf32>
      %add3A_1048 = arith.addf %add3A_1041, %mul3A_1047 : vector<16xf32>
      %get3A_1049 = arith.constant 3 : i32
      %get3A_1050 = arith.index_cast %get3A_1049 : i32 to index
      %get3A_1051 = arith.constant 80 : index
      %get3A_1052 = tpu.vector_load %arg7[%get3A_1050, %get3A_1051] {strides = array<i32>} : memref<4x128xf32, #tpu.memory_space<vmem>>, vector<1x16xf32>,
      %get3A_1053 = vector.shape_cast %get3A_1052 : vector<1x16xf32> to vector<16xf32>
      %mul3A_1054 = arith.mulf %get3A_1053, %get3A_1053 : vector<16xf32>
      %add3A_1055 = arith.addf %add3A_1048, %mul3A_1054 : vector<16xf32>
      %get3A_1056 = arith.constant 3 : i32
      %get3A_1057 = arith.index_cast %get3A_1056 : i32 to index
      %get3A_1058 = arith.constant 96 : index
      %get3A_1059 = tpu.vector_load %arg7[%get3A_1057, %get3A_1058] {strides = array<i32>} : memref<4x128xf32, #tpu.memory_space<vmem>>, vector<1x16xf32>,
      %get3A_1060 = vector.shape_cast %get3A_1059 : vector<1x16xf32> to vector<16xf32>
      %mul3A_1061 = arith.mulf %get3A_1060, %get3A_1060 : vector<16xf32>
      %add3A_1062 = arith.addf %add3A_1055, %mul3A_1061 : vector<16xf32>
      %get3A_1063 = arith.constant 3 : i32
      %get3A_1064 = arith.index_cast %get3A_1063 : i32 to index
      %get3A_1065 = arith.constant 112 : index
      %get3A_1066 = tpu.vector_load %arg7[%get3A_1064, %get3A_1065] {strides = array<i32>} : memref<4x128xf32, #tpu.memory_space<vmem>>, vector<1x16xf32>,
      %get3A_1067 = vector.shape_cast %get3A_1066 : vector<1x16xf32> to vector<16xf32>
      %mul3A_1068 = arith.mulf %get3A_1067, %get3A_1067 : vector<16xf32>
      %add3A_1069 = arith.addf %add3A_1062, %mul3A_1068 : vector<16xf32>
      %swap3A_1070 = arith.constant 0 : index
      %swap3A_1071 = tpu.vector_load %arg8[%swap3A_1070] {strides = array<i32>} : memref<32xf32, #tpu.memory_space<vmem>>, vector<16xf32>,
      %swap3A_1072 = vector.shape_cast %swap3A_1071 : vector<16xf32> to vector<16xf32>
      %swap3A_1073 = vector.shape_cast %add3A_1069 : vector<16xf32> to vector<16xf32>
      tpu.vector_store %arg8[%swap3A_1070], %swap3A_1073 {strides = array<i32>} : memref<32xf32, #tpu.memory_space<vmem>>, vector<16xf32>,
      %swap3A_1074 = arith.constant 16 : index
      %swap3A_1075 = tpu.vector_load %arg8[%swap3A_1074] {strides = array<i32>} : memref<32xf32, #tpu.memory_space<vmem>>, vector<16xf32>,
      %swap3A_1076 = vector.shape_cast %swap3A_1075 : vector<16xf32> to vector<16xf32>
      %swap3A_1077 = vector.shape_cast %add3A_1069 : vector<16xf32> to vector<16xf32>
      tpu.vector_store %arg8[%swap3A_1074], %swap3A_1077 {strides = array<i32>} : memref<32xf32, #tpu.memory_space<vmem>>, vector<16xf32>,
      %get3A_1078 = arith.constant 8 : index
      %get3A_1079 = tpu.vector_load %arg8[%get3A_1078] {strides = array<i32>} : memref<32xf32, #tpu.memory_space<vmem>>, vector<16xf32>,
      %get3A_1080 = vector.shape_cast %get3A_1079 : vector<16xf32> to vector<16xf32>
      %add3A_1081 = arith.addf %add3A_1069, %get3A_1080 : vector<16xf32>
      %swap3A_1082 = arith.constant 0 : index
      %swap3A_1083 = tpu.vector_load %arg8[%swap3A_1082] {strides = array<i32>} : memref<32xf32, #tpu.memory_space<vmem>>, vector<16xf32>,
      %swap3A_1084 = vector.shape_cast %swap3A_1083 : vector<16xf32> to vector<16xf32>
      %swap3A_1085 = vector.shape_cast %add3A_1081 : vector<16xf32> to vector<16xf32>
      tpu.vector_store %arg8[%swap3A_1082], %swap3A_1085 {strides = array<i32>} : memref<32xf32, #tpu.memory_space<vmem>>, vector<16xf32>,
      %swap3A_1086 = arith.constant 16 : index
      %swap3A_1087 = tpu.vector_load %arg8[%swap3A_1086] {strides = array<i32>} : memref<32xf32, #tpu.memory_space<vmem>>, vector<16xf32>,
      %swap3A_1088 = vector.shape_cast %swap3A_1087 : vector<16xf32> to vector<16xf32>
      %swap3A_1089 = vector.shape_cast %add3A_1081 : vector<16xf32> to vector<16xf32>
      tpu.vector_store %arg8[%swap3A_1086], %swap3A_1089 {strides = array<i32>} : memref<32xf32, #tpu.memory_space<vmem>>, vector<16xf32>,
      %get3A_1090 = arith.constant 4 : index
      %get3A_1091 = tpu.vector_load %arg8[%get3A_1090] {strides = array<i32>} : memref<32xf32, #tpu.memory_space<vmem>>, vector<16xf32>,
      %get3A_1092 = vector.shape_cast %get3A_1091 : vector<16xf32> to vector<16xf32>
      %add3A_1093 = arith.addf %add3A_1081, %get3A_1092 : vector<16xf32>
      %swap3A_1094 = arith.constant 0 : index
      %swap3A_1095 = tpu.vector_load %arg8[%swap3A_1094] {strides = array<i32>} : memref<32xf32, #tpu.memory_space<vmem>>, vector<16xf32>,
      %swap3A_1096 = vector.shape_cast %swap3A_1095 : vector<16xf32> to vector<16xf32>
      %swap3A_1097 = vector.shape_cast %add3A_1093 : vector<16xf32> to vector<16xf32>
      tpu.vector_store %arg8[%swap3A_1094], %swap3A_1097 {strides = array<i32>} : memref<32xf32, #tpu.memory_space<vmem>>, vector<16xf32>,
      %swap3A_1098 = arith.constant 16 : index
      %swap3A_1099 = tpu.vector_load %arg8[%swap3A_1098] {strides = array<i32>} : memref<32xf32, #tpu.memory_space<vmem>>, vector<16xf32>,
      %swap3A_1100 = vector.shape_cast %swap3A_1099 : vector<16xf32> to vector<16xf32>
      %swap3A_1101 = vector.shape_cast %add3A_1093 : vector<16xf32> to vector<16xf32>
      tpu.vector_store %arg8[%swap3A_1098], %swap3A_1101 {strides = array<i32>} : memref<32xf32, #tpu.memory_space<vmem>>, vector<16xf32>,
      %get3A_1102 = arith.constant 2 : index
      %get3A_1103 = tpu.vector_load %arg8[%get3A_1102] {strides = array<i32>} : memref<32xf32, #tpu.memory_space<vmem>>, vector<16xf32>,
      %get3A_1104 = vector.shape_cast %get3A_1103 : vector<16xf32> to vector<16xf32>
      %add3A_1105 = arith.addf %add3A_1093, %get3A_1104 : vector<16xf32>
      %swap3A_1106 = arith.constant 0 : index
      %swap3A_1107 = tpu.vector_load %arg8[%swap3A_1106] {strides = array<i32>} : memref<32xf32, #tpu.memory_space<vmem>>, vector<16xf32>,
      %swap3A_1108 = vector.shape_cast %swap3A_1107 : vector<16xf32> to vector<16xf32>
      %swap3A_1109 = vector.shape_cast %add3A_1105 : vector<16xf32> to vector<16xf32>
      tpu.vector_store %arg8[%swap3A_1106], %swap3A_1109 {strides = array<i32>} : memref<32xf32, #tpu.memory_space<vmem>>, vector<16xf32>,
      %swap3A_1110 = arith.constant 16 : index
      %swap3A_1111 = tpu.vector_load %arg8[%swap3A_1110] {strides = array<i32>} : memref<32xf32, #tpu.memory_space<vmem>>, vector<16xf32>,
      %swap3A_1112 = vector.shape_cast %swap3A_1111 : vector<16xf32> to vector<16xf32>
      %swap3A_1113 = vector.shape_cast %add3A_1105 : vector<16xf32> to vector<16xf32>
      tpu.vector_store %arg8[%swap3A_1110], %swap3A_1113 {strides = array<i32>} : memref<32xf32, #tpu.memory_space<vmem>>, vector<16xf32>,
      %get3A_1114 = arith.constant 1 : index
      %get3A_1115 = tpu.vector_load %arg8[%get3A_1114] {strides = array<i32>} : memref<32xf32, #tpu.memory_space<vmem>>, vector<16xf32>,
      %get3A_1116 = vector.shape_cast %get3A_1115 : vector<16xf32> to vector<16xf32>
      %add3A_1117 = arith.addf %add3A_1105, %get3A_1116 : vector<16xf32>
      %broadcast_in_dim3A_1118 = arith.constant 1.000000e+00 : f32
      %broadcast_in_dim3A_1119 = vector.broadcast %broadcast_in_dim3A_1118 : f32 to vector<16xf32>
      %div3A_1120 = arith.divf %add3A_1117, %broadcast_in_dim3A_1119 : vector<16xf32>
      %add3A_1121 = arith.addf %broadcast_in_dim3A_1119, %div3A_1120 : vector<16xf32>
      %mul3A_1122 = arith.constant 5.000000e-01 : f32
      %mul3A_1123 = vector.broadcast %mul3A_1122 : f32 to vector<16xf32>
      %mul3A_1124 = arith.mulf %mul3A_1123, %add3A_1121 : vector<16xf32>
      %div3A_1125 = arith.divf %add3A_1117, %mul3A_1124 : vector<16xf32>
      %add3A_1126 = arith.addf %mul3A_1124, %div3A_1125 : vector<16xf32>
      %mul3A_1127 = arith.constant 5.000000e-01 : f32
      %mul3A_1128 = vector.broadcast %mul3A_1127 : f32 to vector<16xf32>
      %mul3A_1129 = arith.mulf %mul3A_1128, %add3A_1126 : vector<16xf32>
      %div3A_1130 = arith.divf %add3A_1117, %mul3A_1129 : vector<16xf32>
      %add3A_1131 = arith.addf %mul3A_1129, %div3A_1130 : vector<16xf32>
      %mul3A_1132 = arith.constant 5.000000e-01 : f32
      %mul3A_1133 = vector.broadcast %mul3A_1132 : f32 to vector<16xf32>
      %mul3A_1134 = arith.mulf %mul3A_1133, %add3A_1131 : vector<16xf32>
      %div3A_1135 = arith.divf %add3A_1117, %mul3A_1134 : vector<16xf32>
      %add3A_1136 = arith.addf %mul3A_1134, %div3A_1135 : vector<16xf32>
      %mul3A_1137 = arith.constant 5.000000e-01 : f32
      %mul3A_1138 = vector.broadcast %mul3A_1137 : f32 to vector<16xf32>
      %mul3A_1139 = arith.mulf %mul3A_1138, %add3A_1136 : vector<16xf32>
      %max3A_1140 = arith.constant 9.99999996E-13 : f32
      %max3A_1141 = vector.broadcast %max3A_1140 : f32 to vector<16xf32>
      %max3A_1142 = arith.maximumf %mul3A_1139, %max3A_1141 : vector<16xf32>
      %div3A_1143 = arith.constant 1.000000e+00 : f32
      %div3A_1144 = vector.broadcast %div3A_1143 : f32 to vector<16xf32>
      %div3A_1145 = arith.divf %div3A_1144, %max3A_1142 : vector<16xf32>
      %get3A_1146 = arith.constant 3 : i32
      %get3A_1147 = arith.index_cast %get3A_1146 : i32 to index
      %get3A_1148 = arith.constant 0 : index
      %get3A_1149 = tpu.vector_load %arg7[%get3A_1147, %get3A_1148] {strides = array<i32>} : memref<4x128xf32, #tpu.memory_space<vmem>>, vector<1x16xf32>,
      %get3A_1150 = vector.shape_cast %get3A_1149 : vector<1x16xf32> to vector<16xf32>
      %mul3A_1151 = arith.mulf %get3A_1150, %div3A_1145 : vector<16xf32>
      %swap3A_1152 = arith.constant 3 : i32
      %swap3A_1153 = arith.index_cast %swap3A_1152 : i32 to index
      %swap3A_1154 = arith.constant 0 : index
      %swap3A_1155 = tpu.vector_load %arg7[%swap3A_1153, %swap3A_1154] {strides = array<i32>} : memref<4x128xf32, #tpu.memory_space<vmem>>, vector<1x16xf32>,
      %swap3A_1156 = vector.shape_cast %swap3A_1155 : vector<1x16xf32> to vector<16xf32>
      %swap3A_1157 = vector.shape_cast %mul3A_1151 : vector<16xf32> to vector<1x16xf32>
      tpu.vector_store %arg7[%swap3A_1153, %swap3A_1154], %swap3A_1157 {strides = array<i32>} : memref<4x128xf32, #tpu.memory_space<vmem>>, vector<1x16xf32>,
      %get3A_1158 = arith.constant 3 : i32
      %get3A_1159 = arith.index_cast %get3A_1158 : i32 to index
      %get3A_1160 = arith.constant 16 : index
      %get3A_1161 = tpu.vector_load %arg7[%get3A_1159, %get3A_1160] {strides = array<i32>} : memref<4x128xf32, #tpu.memory_space<vmem>>, vector<1x16xf32>,
      %get3A_1162 = vector.shape_cast %get3A_1161 : vector<1x16xf32> to vector<16xf32>
      %mul3A_1163 = arith.mulf %get3A_1162, %div3A_1145 : vector<16xf32>
      %swap3A_1164 = arith.constant 3 : i32
      %swap3A_1165 = arith.index_cast %swap3A_1164 : i32 to index
      %swap3A_1166 = arith.constant 16 : index
      %swap3A_1167 = tpu.vector_load %arg7[%swap3A_1165, %swap3A_1166] {strides = array<i32>} : memref<4x128xf32, #tpu.memory_space<vmem>>, vector<1x16xf32>,
      %swap3A_1168 = vector.shape_cast %swap3A_1167 : vector<1x16xf32> to vector<16xf32>
      %swap3A_1169 = vector.shape_cast %mul3A_1163 : vector<16xf32> to vector<1x16xf32>
      tpu.vector_store %arg7[%swap3A_1165, %swap3A_1166], %swap3A_1169 {strides = array<i32>} : memref<4x128xf32, #tpu.memory_space<vmem>>, vector<1x16xf32>,
      %get3A_1170 = arith.constant 3 : i32
      %get3A_1171 = arith.index_cast %get3A_1170 : i32 to index
      %get3A_1172 = arith.constant 32 : index
      %get3A_1173 = tpu.vector_load %arg7[%get3A_1171, %get3A_1172] {strides = array<i32>} : memref<4x128xf32, #tpu.memory_space<vmem>>, vector<1x16xf32>,
      %get3A_1174 = vector.shape_cast %get3A_1173 : vector<1x16xf32> to vector<16xf32>
      %mul3A_1175 = arith.mulf %get3A_1174, %div3A_1145 : vector<16xf32>
      %swap3A_1176 = arith.constant 3 : i32
      %swap3A_1177 = arith.index_cast %swap3A_1176 : i32 to index
      %swap3A_1178 = arith.constant 32 : index
      %swap3A_1179 = tpu.vector_load %arg7[%swap3A_1177, %swap3A_1178] {strides = array<i32>} : memref<4x128xf32, #tpu.memory_space<vmem>>, vector<1x16xf32>,
      %swap3A_1180 = vector.shape_cast %swap3A_1179 : vector<1x16xf32> to vector<16xf32>
      %swap3A_1181 = vector.shape_cast %mul3A_1175 : vector<16xf32> to vector<1x16xf32>
      tpu.vector_store %arg7[%swap3A_1177, %swap3A_1178], %swap3A_1181 {strides = array<i32>} : memref<4x128xf32, #tpu.memory_space<vmem>>, vector<1x16xf32>,
      %get3A_1182 = arith.constant 3 : i32
      %get3A_1183 = arith.index_cast %get3A_1182 : i32 to index
      %get3A_1184 = arith.constant 48 : index
      %get3A_1185 = tpu.vector_load %arg7[%get3A_1183, %get3A_1184] {strides = array<i32>} : memref<4x128xf32, #tpu.memory_space<vmem>>, vector<1x16xf32>,
      %get3A_1186 = vector.shape_cast %get3A_1185 : vector<1x16xf32> to vector<16xf32>
      %mul3A_1187 = arith.mulf %get3A_1186, %div3A_1145 : vector<16xf32>
      %swap3A_1188 = arith.constant 3 : i32
      %swap3A_1189 = arith.index_cast %swap3A_1188 : i32 to index
      %swap3A_1190 = arith.constant 48 : index
      %swap3A_1191 = tpu.vector_load %arg7[%swap3A_1189, %swap3A_1190] {strides = array<i32>} : memref<4x128xf32, #tpu.memory_space<vmem>>, vector<1x16xf32>,
      %swap3A_1192 = vector.shape_cast %swap3A_1191 : vector<1x16xf32> to vector<16xf32>
      %swap3A_1193 = vector.shape_cast %mul3A_1187 : vector<16xf32> to vector<1x16xf32>
      tpu.vector_store %arg7[%swap3A_1189, %swap3A_1190], %swap3A_1193 {strides = array<i32>} : memref<4x128xf32, #tpu.memory_space<vmem>>, vector<1x16xf32>,
      %get3A_1194 = arith.constant 3 : i32
      %get3A_1195 = arith.index_cast %get3A_1194 : i32 to index
      %get3A_1196 = arith.constant 64 : index
      %get3A_1197 = tpu.vector_load %arg7[%get3A_1195, %get3A_1196] {strides = array<i32>} : memref<4x128xf32, #tpu.memory_space<vmem>>, vector<1x16xf32>,
      %get3A_1198 = vector.shape_cast %get3A_1197 : vector<1x16xf32> to vector<16xf32>
      %mul3A_1199 = arith.mulf %get3A_1198, %div3A_1145 : vector<16xf32>
      %swap3A_1200 = arith.constant 3 : i32
      %swap3A_1201 = arith.index_cast %swap3A_1200 : i32 to index
      %swap3A_1202 = arith.constant 64 : index
      %swap3A_1203 = tpu.vector_load %arg7[%swap3A_1201, %swap3A_1202] {strides = array<i32>} : memref<4x128xf32, #tpu.memory_space<vmem>>, vector<1x16xf32>,
      %swap3A_1204 = vector.shape_cast %swap3A_1203 : vector<1x16xf32> to vector<16xf32>
      %swap3A_1205 = vector.shape_cast %mul3A_1199 : vector<16xf32> to vector<1x16xf32>
      tpu.vector_store %arg7[%swap3A_1201, %swap3A_1202], %swap3A_1205 {strides = array<i32>} : memref<4x128xf32, #tpu.memory_space<vmem>>, vector<1x16xf32>,
      %get3A_1206 = arith.constant 3 : i32
      %get3A_1207 = arith.index_cast %get3A_1206 : i32 to index
      %get3A_1208 = arith.constant 80 : index
      %get3A_1209 = tpu.vector_load %arg7[%get3A_1207, %get3A_1208] {strides = array<i32>} : memref<4x128xf32, #tpu.memory_space<vmem>>, vector<1x16xf32>,
      %get3A_1210 = vector.shape_cast %get3A_1209 : vector<1x16xf32> to vector<16xf32>
      %mul3A_1211 = arith.mulf %get3A_1210, %div3A_1145 : vector<16xf32>
      %swap3A_1212 = arith.constant 3 : i32
      %swap3A_1213 = arith.index_cast %swap3A_1212 : i32 to index
      %swap3A_1214 = arith.constant 80 : index
      %swap3A_1215 = tpu.vector_load %arg7[%swap3A_1213, %swap3A_1214] {strides = array<i32>} : memref<4x128xf32, #tpu.memory_space<vmem>>, vector<1x16xf32>,
      %swap3A_1216 = vector.shape_cast %swap3A_1215 : vector<1x16xf32> to vector<16xf32>
      %swap3A_1217 = vector.shape_cast %mul3A_1211 : vector<16xf32> to vector<1x16xf32>
      tpu.vector_store %arg7[%swap3A_1213, %swap3A_1214], %swap3A_1217 {strides = array<i32>} : memref<4x128xf32, #tpu.memory_space<vmem>>, vector<1x16xf32>,
      %get3A_1218 = arith.constant 3 : i32
      %get3A_1219 = arith.index_cast %get3A_1218 : i32 to index
      %get3A_1220 = arith.constant 96 : index
      %get3A_1221 = tpu.vector_load %arg7[%get3A_1219, %get3A_1220] {strides = array<i32>} : memref<4x128xf32, #tpu.memory_space<vmem>>, vector<1x16xf32>,
      %get3A_1222 = vector.shape_cast %get3A_1221 : vector<1x16xf32> to vector<16xf32>
      %mul3A_1223 = arith.mulf %get3A_1222, %div3A_1145 : vector<16xf32>
      %swap3A_1224 = arith.constant 3 : i32
      %swap3A_1225 = arith.index_cast %swap3A_1224 : i32 to index
      %swap3A_1226 = arith.constant 96 : index
      %swap3A_1227 = tpu.vector_load %arg7[%swap3A_1225, %swap3A_1226] {strides = array<i32>} : memref<4x128xf32, #tpu.memory_space<vmem>>, vector<1x16xf32>,
      %swap3A_1228 = vector.shape_cast %swap3A_1227 : vector<1x16xf32> to vector<16xf32>
      %swap3A_1229 = vector.shape_cast %mul3A_1223 : vector<16xf32> to vector<1x16xf32>
      tpu.vector_store %arg7[%swap3A_1225, %swap3A_1226], %swap3A_1229 {strides = array<i32>} : memref<4x128xf32, #tpu.memory_space<vmem>>, vector<1x16xf32>,
      %get3A_1230 = arith.constant 3 : i32
      %get3A_1231 = arith.index_cast %get3A_1230 : i32 to index
      %get3A_1232 = arith.constant 112 : index
      %get3A_1233 = tpu.vector_load %arg7[%get3A_1231, %get3A_1232] {strides = array<i32>} : memref<4x128xf32, #tpu.memory_space<vmem>>, vector<1x16xf32>,
      %get3A_1234 = vector.shape_cast %get3A_1233 : vector<1x16xf32> to vector<16xf32>
      %mul3A_1235 = arith.mulf %get3A_1234, %div3A_1145 : vector<16xf32>
      %swap3A_1236 = arith.constant 3 : i32
      %swap3A_1237 = arith.index_cast %swap3A_1236 : i32 to index
      %swap3A_1238 = arith.constant 112 : index
      %swap3A_1239 = tpu.vector_load %arg7[%swap3A_1237, %swap3A_1238] {strides = array<i32>} : memref<4x128xf32, #tpu.memory_space<vmem>>, vector<1x16xf32>,
      %swap3A_1240 = vector.shape_cast %swap3A_1239 : vector<1x16xf32> to vector<16xf32>
      %swap3A_1241 = vector.shape_cast %mul3A_1235 : vector<16xf32> to vector<1x16xf32>
      tpu.vector_store %arg7[%swap3A_1237, %swap3A_1238], %swap3A_1241 {strides = array<i32>} : memref<4x128xf32, #tpu.memory_space<vmem>>, vector<1x16xf32>,
      "tpu.region"() ({
        %run_scoped3A = tpu.sem_alloc : memref<!tpu.dma_semaphore, #tpu.memory_space<semaphore_mem>>
        tpu.enqueue_dma source(%arg7 : memref<4x128xf32, #tpu.memory_space<vmem>>) target(%arg9 : memref<4x128xf32, #tpu.memory_space<vmem_shared>>) target_semaphore(%run_scoped3A : memref<!tpu.dma_semaphore, #tpu.memory_space<semaphore_mem>>)
        tpu.wait_dma2 semaphore(%run_scoped3A : memref<!tpu.dma_semaphore, #tpu.memory_space<semaphore_mem>>) src(%arg7 : memref<4x128xf32, #tpu.memory_space<vmem>>) dst(%arg9 : memref<4x128xf32, #tpu.memory_space<vmem_shared>>)
        tpu.yield
      }) : () -> ()
    } else {
    }
    %barrier3A = arith.constant 0 : index
    tpu.barrier barrier_id(%barrier3A)
    %dma_wait3A = tpu.memref_slice %arg2[%mul3A_2] : memref<16384xi32, #tpu.memory_space<hbm>> -> memref<512xi32, #tpu.memory_space<hbm>>
    %dma_wait3A_6 = tpu.memref_slice %arg2[%mul3A_2] : memref<16384xi32, #tpu.memory_space<hbm>> -> memref<512xi32, #tpu.memory_space<hbm>>
    tpu.wait_dma2 semaphore(%arg11 : memref<!tpu.dma_semaphore, #tpu.memory_space<semaphore_mem>>) src(%dma_wait3A_6 : memref<512xi32, #tpu.memory_space<hbm>>) dst(%arg5 : memref<512xi32, #tpu.memory_space<vmem>>)
    %dma_start3A_7 = arith.constant 0 : i32
    %dma_start3A_8 = arith.constant 0 : i32
    %dma_start3A_9 = tpu.memref_slice %arg6[%dma_start3A_7, %dma_start3A_8] : memref<512x128xf32, #tpu.memory_space<vmem>> -> memref<64x128xf32, #tpu.memory_space<vmem>>
    %dma_start3A_10 = arith.constant 0 : i32
    %dma_start3A_11 = tpu.memref_slice %arg5[%dma_start3A_10] : memref<512xi32, #tpu.memory_space<vmem>> -> memref<64xi32, #tpu.memory_space<vmem>>
    %dma_start3A_12 = arith.constant 0 : i32
    %dma_start3A_13 = arith.constant 0 : i32
    %dma_start3A_14 = tpu.memref_slice %arg9[%dma_start3A_12, %dma_start3A_13] : memref<4x128xf32, #tpu.memory_space<vmem_shared>> -> memref<4x128xf32, #tpu.memory_space<vmem_shared>>
    tpu.enqueue_indirect_dma source(%dma_start3A_14 : memref<4x128xf32, #tpu.memory_space<vmem_shared>>) target(%dma_start3A_9 : memref<64x128xf32, #tpu.memory_space<vmem>>) offsets(%dma_start3A_11 : memref<64xi32, #tpu.memory_space<vmem>>) semaphore(%arg10 : memref<!tpu.dma_semaphore, #tpu.memory_space<semaphore_mem>>)
    %dma_start3A_15 = arith.constant 64 : i32
    %dma_start3A_16 = arith.constant 0 : i32
    %dma_start3A_17 = tpu.memref_slice %arg6[%dma_start3A_15, %dma_start3A_16] : memref<512x128xf32, #tpu.memory_space<vmem>> -> memref<64x128xf32, #tpu.memory_space<vmem>>
    %dma_start3A_18 = arith.constant 64 : i32
    %dma_start3A_19 = tpu.memref_slice %arg5[%dma_start3A_18] : memref<512xi32, #tpu.memory_space<vmem>> -> memref<64xi32, #tpu.memory_space<vmem>>
    %dma_start3A_20 = arith.constant 0 : i32
    %dma_start3A_21 = arith.constant 0 : i32
    %dma_start3A_22 = tpu.memref_slice %arg9[%dma_start3A_20, %dma_start3A_21] : memref<4x128xf32, #tpu.memory_space<vmem_shared>> -> memref<4x128xf32, #tpu.memory_space<vmem_shared>>
    tpu.enqueue_indirect_dma source(%dma_start3A_22 : memref<4x128xf32, #tpu.memory_space<vmem_shared>>) target(%dma_start3A_17 : memref<64x128xf32, #tpu.memory_space<vmem>>) offsets(%dma_start3A_19 : memref<64xi32, #tpu.memory_space<vmem>>) semaphore(%arg10 : memref<!tpu.dma_semaphore, #tpu.memory_space<semaphore_mem>>)
    %dma_start3A_23 = arith.constant 128 : i32
    %dma_start3A_24 = arith.constant 0 : i32
    %dma_start3A_25 = tpu.memref_slice %arg6[%dma_start3A_23, %dma_start3A_24] : memref<512x128xf32, #tpu.memory_space<vmem>> -> memref<64x128xf32, #tpu.memory_space<vmem>>
    %dma_start3A_26 = arith.constant 128 : i32
    %dma_start3A_27 = tpu.memref_slice %arg5[%dma_start3A_26] : memref<512xi32, #tpu.memory_space<vmem>> -> memref<64xi32, #tpu.memory_space<vmem>>
    %dma_start3A_28 = arith.constant 0 : i32
    %dma_start3A_29 = arith.constant 0 : i32
    %dma_start3A_30 = tpu.memref_slice %arg9[%dma_start3A_28, %dma_start3A_29] : memref<4x128xf32, #tpu.memory_space<vmem_shared>> -> memref<4x128xf32, #tpu.memory_space<vmem_shared>>
    tpu.enqueue_indirect_dma source(%dma_start3A_30 : memref<4x128xf32, #tpu.memory_space<vmem_shared>>) target(%dma_start3A_25 : memref<64x128xf32, #tpu.memory_space<vmem>>) offsets(%dma_start3A_27 : memref<64xi32, #tpu.memory_space<vmem>>) semaphore(%arg10 : memref<!tpu.dma_semaphore, #tpu.memory_space<semaphore_mem>>)
    %dma_start3A_31 = arith.constant 192 : i32
    %dma_start3A_32 = arith.constant 0 : i32
    %dma_start3A_33 = tpu.memref_slice %arg6[%dma_start3A_31, %dma_start3A_32] : memref<512x128xf32, #tpu.memory_space<vmem>> -> memref<64x128xf32, #tpu.memory_space<vmem>>
    %dma_start3A_34 = arith.constant 192 : i32
    %dma_start3A_35 = tpu.memref_slice %arg5[%dma_start3A_34] : memref<512xi32, #tpu.memory_space<vmem>> -> memref<64xi32, #tpu.memory_space<vmem>>
    %dma_start3A_36 = arith.constant 0 : i32
    %dma_start3A_37 = arith.constant 0 : i32
    %dma_start3A_38 = tpu.memref_slice %arg9[%dma_start3A_36, %dma_start3A_37] : memref<4x128xf32, #tpu.memory_space<vmem_shared>> -> memref<4x128xf32, #tpu.memory_space<vmem_shared>>
    tpu.enqueue_indirect_dma source(%dma_start3A_38 : memref<4x128xf32, #tpu.memory_space<vmem_shared>>) target(%dma_start3A_33 : memref<64x128xf32, #tpu.memory_space<vmem>>) offsets(%dma_start3A_35 : memref<64xi32, #tpu.memory_space<vmem>>) semaphore(%arg10 : memref<!tpu.dma_semaphore, #tpu.memory_space<semaphore_mem>>)
    %dma_start3A_39 = arith.constant 256 : i32
    %dma_start3A_40 = arith.constant 0 : i32
    %dma_start3A_41 = tpu.memref_slice %arg6[%dma_start3A_39, %dma_start3A_40] : memref<512x128xf32, #tpu.memory_space<vmem>> -> memref<64x128xf32, #tpu.memory_space<vmem>>
    %dma_start3A_42 = arith.constant 256 : i32
    %dma_start3A_43 = tpu.memref_slice %arg5[%dma_start3A_42] : memref<512xi32, #tpu.memory_space<vmem>> -> memref<64xi32, #tpu.memory_space<vmem>>
    %dma_start3A_44 = arith.constant 0 : i32
    %dma_start3A_45 = arith.constant 0 : i32
    %dma_start3A_46 = tpu.memref_slice %arg9[%dma_start3A_44, %dma_start3A_45] : memref<4x128xf32, #tpu.memory_space<vmem_shared>> -> memref<4x128xf32, #tpu.memory_space<vmem_shared>>
    tpu.enqueue_indirect_dma source(%dma_start3A_46 : memref<4x128xf32, #tpu.memory_space<vmem_shared>>) target(%dma_start3A_41 : memref<64x128xf32, #tpu.memory_space<vmem>>) offsets(%dma_start3A_43 : memref<64xi32, #tpu.memory_space<vmem>>) semaphore(%arg10 : memref<!tpu.dma_semaphore, #tpu.memory_space<semaphore_mem>>)
    %dma_start3A_47 = arith.constant 320 : i32
    %dma_start3A_48 = arith.constant 0 : i32
    %dma_start3A_49 = tpu.memref_slice %arg6[%dma_start3A_47, %dma_start3A_48] : memref<512x128xf32, #tpu.memory_space<vmem>> -> memref<64x128xf32, #tpu.memory_space<vmem>>
    %dma_start3A_50 = arith.constant 320 : i32
    %dma_start3A_51 = tpu.memref_slice %arg5[%dma_start3A_50] : memref<512xi32, #tpu.memory_space<vmem>> -> memref<64xi32, #tpu.memory_space<vmem>>
    %dma_start3A_52 = arith.constant 0 : i32
    %dma_start3A_53 = arith.constant 0 : i32
    %dma_start3A_54 = tpu.memref_slice %arg9[%dma_start3A_52, %dma_start3A_53] : memref<4x128xf32, #tpu.memory_space<vmem_shared>> -> memref<4x128xf32, #tpu.memory_space<vmem_shared>>
    tpu.enqueue_indirect_dma source(%dma_start3A_54 : memref<4x128xf32, #tpu.memory_space<vmem_shared>>) target(%dma_start3A_49 : memref<64x128xf32, #tpu.memory_space<vmem>>) offsets(%dma_start3A_51 : memref<64xi32, #tpu.memory_space<vmem>>) semaphore(%arg10 : memref<!tpu.dma_semaphore, #tpu.memory_space<semaphore_mem>>)
    %dma_start3A_55 = arith.constant 384 : i32
    %dma_start3A_56 = arith.constant 0 : i32
    %dma_start3A_57 = tpu.memref_slice %arg6[%dma_start3A_55, %dma_start3A_56] : memref<512x128xf32, #tpu.memory_space<vmem>> -> memref<64x128xf32, #tpu.memory_space<vmem>>
    %dma_start3A_58 = arith.constant 384 : i32
    %dma_start3A_59 = tpu.memref_slice %arg5[%dma_start3A_58] : memref<512xi32, #tpu.memory_space<vmem>> -> memref<64xi32, #tpu.memory_space<vmem>>
    %dma_start3A_60 = arith.constant 0 : i32
    %dma_start3A_61 = arith.constant 0 : i32
    %dma_start3A_62 = tpu.memref_slice %arg9[%dma_start3A_60, %dma_start3A_61] : memref<4x128xf32, #tpu.memory_space<vmem_shared>> -> memref<4x128xf32, #tpu.memory_space<vmem_shared>>
    tpu.enqueue_indirect_dma source(%dma_start3A_62 : memref<4x128xf32, #tpu.memory_space<vmem_shared>>) target(%dma_start3A_57 : memref<64x128xf32, #tpu.memory_space<vmem>>) offsets(%dma_start3A_59 : memref<64xi32, #tpu.memory_space<vmem>>) semaphore(%arg10 : memref<!tpu.dma_semaphore, #tpu.memory_space<semaphore_mem>>)
    %dma_start3A_63 = arith.constant 448 : i32
    %dma_start3A_64 = arith.constant 0 : i32
    %dma_start3A_65 = tpu.memref_slice %arg6[%dma_start3A_63, %dma_start3A_64] : memref<512x128xf32, #tpu.memory_space<vmem>> -> memref<64x128xf32, #tpu.memory_space<vmem>>
    %dma_start3A_66 = arith.constant 448 : i32
    %dma_start3A_67 = tpu.memref_slice %arg5[%dma_start3A_66] : memref<512xi32, #tpu.memory_space<vmem>> -> memref<64xi32, #tpu.memory_space<vmem>>
    %dma_start3A_68 = arith.constant 0 : i32
    %dma_start3A_69 = arith.constant 0 : i32
    %dma_start3A_70 = tpu.memref_slice %arg9[%dma_start3A_68, %dma_start3A_69] : memref<4x128xf32, #tpu.memory_space<vmem_shared>> -> memref<4x128xf32, #tpu.memory_space<vmem_shared>>
    tpu.enqueue_indirect_dma source(%dma_start3A_70 : memref<4x128xf32, #tpu.memory_space<vmem_shared>>) target(%dma_start3A_65 : memref<64x128xf32, #tpu.memory_space<vmem>>) offsets(%dma_start3A_67 : memref<64xi32, #tpu.memory_space<vmem>>) semaphore(%arg10 : memref<!tpu.dma_semaphore, #tpu.memory_space<semaphore_mem>>)
    %dma_wait3A_71 = arith.constant 0 : i32
    %dma_wait3A_72 = arith.constant 0 : i32
    %dma_wait3A_73 = tpu.memref_slice %arg6[%dma_wait3A_71, %dma_wait3A_72] : memref<512x128xf32, #tpu.memory_space<vmem>> -> memref<64x128xf32, #tpu.memory_space<vmem>>
    %dma_wait3A_74 = arith.constant 0 : i32
    %dma_wait3A_75 = tpu.memref_slice %arg5[%dma_wait3A_74] : memref<512xi32, #tpu.memory_space<vmem>> -> memref<64xi32, #tpu.memory_space<vmem>>
    %dma_wait3A_76 = arith.constant 0 : i32
    %dma_wait3A_77 = arith.constant 0 : i32
    %dma_wait3A_78 = tpu.memref_slice %arg9[%dma_wait3A_76, %dma_wait3A_77] : memref<4x128xf32, #tpu.memory_space<vmem_shared>> -> memref<4x128xf32, #tpu.memory_space<vmem_shared>>
    tpu.wait_indirect_dma semaphore(%arg10 : memref<!tpu.dma_semaphore, #tpu.memory_space<semaphore_mem>>) src(%dma_wait3A_78 : memref<4x128xf32, #tpu.memory_space<vmem_shared>>) dst(%dma_wait3A_73 : memref<64x128xf32, #tpu.memory_space<vmem>>)
    %mul3A_79 = arith.constant 512 : i32
    %mul3A_80 = arith.muli %add3A, %mul3A_79 : i32
    %add3A_81 = arith.constant 0 : i32
    %add3A_82 = arith.addi %mul3A_80, %add3A_81 : i32
    %dma_start3A_83 = arith.constant 0 : i32
    %dma_start3A_84 = arith.constant 0 : i32
    %dma_start3A_85 = tpu.memref_slice %arg6[%dma_start3A_83, %dma_start3A_84] : memref<512x128xf32, #tpu.memory_space<vmem>> -> memref<64x128xf32, #tpu.memory_space<vmem>>
    %dma_start3A_86 = arith.constant 0 : i32
    %dma_start3A_87 = tpu.memref_slice %arg4[%add3A_82, %dma_start3A_86] : memref<16384x128xf32, #tpu.memory_space<hbm>> -> memref<64x128xf32, #tpu.memory_space<hbm>>
    %dma_start3A_88 = arith.constant 0 : i32
    %dma_start3A_89 = tpu.memref_slice %arg4[%add3A_82, %dma_start3A_88] : memref<16384x128xf32, #tpu.memory_space<hbm>> -> memref<64x128xf32, #tpu.memory_space<hbm>>
    %dma_start3A_90 = arith.constant 0 : i32
    %dma_start3A_91 = arith.constant 0 : i32
    %dma_start3A_92 = tpu.memref_slice %arg6[%dma_start3A_90, %dma_start3A_91] : memref<512x128xf32, #tpu.memory_space<vmem>> -> memref<64x128xf32, #tpu.memory_space<vmem>>
    tpu.enqueue_dma source(%dma_start3A_92 : memref<64x128xf32, #tpu.memory_space<vmem>>) target(%dma_start3A_89 : memref<64x128xf32, #tpu.memory_space<hbm>>) target_semaphore(%arg11 : memref<!tpu.dma_semaphore, #tpu.memory_space<semaphore_mem>>)
    %dma_wait3A_93 = arith.constant 64 : i32
    %dma_wait3A_94 = arith.constant 0 : i32
    %dma_wait3A_95 = tpu.memref_slice %arg6[%dma_wait3A_93, %dma_wait3A_94] : memref<512x128xf32, #tpu.memory_space<vmem>> -> memref<64x128xf32, #tpu.memory_space<vmem>>
    %dma_wait3A_96 = arith.constant 64 : i32
    %dma_wait3A_97 = tpu.memref_slice %arg5[%dma_wait3A_96] : memref<512xi32, #tpu.memory_space<vmem>> -> memref<64xi32, #tpu.memory_space<vmem>>
    %dma_wait3A_98 = arith.constant 0 : i32
    %dma_wait3A_99 = arith.constant 0 : i32
    %dma_wait3A_100 = tpu.memref_slice %arg9[%dma_wait3A_98, %dma_wait3A_99] : memref<4x128xf32, #tpu.memory_space<vmem_shared>> -> memref<4x128xf32, #tpu.memory_space<vmem_shared>>
    tpu.wait_indirect_dma semaphore(%arg10 : memref<!tpu.dma_semaphore, #tpu.memory_space<semaphore_mem>>) src(%dma_wait3A_100 : memref<4x128xf32, #tpu.memory_space<vmem_shared>>) dst(%dma_wait3A_95 : memref<64x128xf32, #tpu.memory_space<vmem>>)
    %mul3A_101 = arith.constant 512 : i32
    %mul3A_102 = arith.muli %add3A, %mul3A_101 : i32
    %add3A_103 = arith.constant 64 : i32
    %add3A_104 = arith.addi %mul3A_102, %add3A_103 : i32
    %dma_start3A_105 = arith.constant 64 : i32
    %dma_start3A_106 = arith.constant 0 : i32
    %dma_start3A_107 = tpu.memref_slice %arg6[%dma_start3A_105, %dma_start3A_106] : memref<512x128xf32, #tpu.memory_space<vmem>> -> memref<64x128xf32, #tpu.memory_space<vmem>>
    %dma_start3A_108 = arith.constant 0 : i32
    %dma_start3A_109 = tpu.memref_slice %arg4[%add3A_104, %dma_start3A_108] : memref<16384x128xf32, #tpu.memory_space<hbm>> -> memref<64x128xf32, #tpu.memory_space<hbm>>
    %dma_start3A_110 = arith.constant 0 : i32
    %dma_start3A_111 = tpu.memref_slice %arg4[%add3A_104, %dma_start3A_110] : memref<16384x128xf32, #tpu.memory_space<hbm>> -> memref<64x128xf32, #tpu.memory_space<hbm>>
    %dma_start3A_112 = arith.constant 64 : i32
    %dma_start3A_113 = arith.constant 0 : i32
    %dma_start3A_114 = tpu.memref_slice %arg6[%dma_start3A_112, %dma_start3A_113] : memref<512x128xf32, #tpu.memory_space<vmem>> -> memref<64x128xf32, #tpu.memory_space<vmem>>
    tpu.enqueue_dma source(%dma_start3A_114 : memref<64x128xf32, #tpu.memory_space<vmem>>) target(%dma_start3A_111 : memref<64x128xf32, #tpu.memory_space<hbm>>) target_semaphore(%arg11 : memref<!tpu.dma_semaphore, #tpu.memory_space<semaphore_mem>>)
    %dma_wait3A_115 = arith.constant 128 : i32
    %dma_wait3A_116 = arith.constant 0 : i32
    %dma_wait3A_117 = tpu.memref_slice %arg6[%dma_wait3A_115, %dma_wait3A_116] : memref<512x128xf32, #tpu.memory_space<vmem>> -> memref<64x128xf32, #tpu.memory_space<vmem>>
    %dma_wait3A_118 = arith.constant 128 : i32
    %dma_wait3A_119 = tpu.memref_slice %arg5[%dma_wait3A_118] : memref<512xi32, #tpu.memory_space<vmem>> -> memref<64xi32, #tpu.memory_space<vmem>>
    %dma_wait3A_120 = arith.constant 0 : i32
    %dma_wait3A_121 = arith.constant 0 : i32
    %dma_wait3A_122 = tpu.memref_slice %arg9[%dma_wait3A_120, %dma_wait3A_121] : memref<4x128xf32, #tpu.memory_space<vmem_shared>> -> memref<4x128xf32, #tpu.memory_space<vmem_shared>>
    tpu.wait_indirect_dma semaphore(%arg10 : memref<!tpu.dma_semaphore, #tpu.memory_space<semaphore_mem>>) src(%dma_wait3A_122 : memref<4x128xf32, #tpu.memory_space<vmem_shared>>) dst(%dma_wait3A_117 : memref<64x128xf32, #tpu.memory_space<vmem>>)
    %mul3A_123 = arith.constant 512 : i32
    %mul3A_124 = arith.muli %add3A, %mul3A_123 : i32
    %add3A_125 = arith.constant 128 : i32
    %add3A_126 = arith.addi %mul3A_124, %add3A_125 : i32
    %dma_start3A_127 = arith.constant 128 : i32
    %dma_start3A_128 = arith.constant 0 : i32
    %dma_start3A_129 = tpu.memref_slice %arg6[%dma_start3A_127, %dma_start3A_128] : memref<512x128xf32, #tpu.memory_space<vmem>> -> memref<64x128xf32, #tpu.memory_space<vmem>>
    %dma_start3A_130 = arith.constant 0 : i32
    %dma_start3A_131 = tpu.memref_slice %arg4[%add3A_126, %dma_start3A_130] : memref<16384x128xf32, #tpu.memory_space<hbm>> -> memref<64x128xf32, #tpu.memory_space<hbm>>
    %dma_start3A_132 = arith.constant 0 : i32
    %dma_start3A_133 = tpu.memref_slice %arg4[%add3A_126, %dma_start3A_132] : memref<16384x128xf32, #tpu.memory_space<hbm>> -> memref<64x128xf32, #tpu.memory_space<hbm>>
    %dma_start3A_134 = arith.constant 128 : i32
    %dma_start3A_135 = arith.constant 0 : i32
    %dma_start3A_136 = tpu.memref_slice %arg6[%dma_start3A_134, %dma_start3A_135] : memref<512x128xf32, #tpu.memory_space<vmem>> -> memref<64x128xf32, #tpu.memory_space<vmem>>
    tpu.enqueue_dma source(%dma_start3A_136 : memref<64x128xf32, #tpu.memory_space<vmem>>) target(%dma_start3A_133 : memref<64x128xf32, #tpu.memory_space<hbm>>) target_semaphore(%arg11 : memref<!tpu.dma_semaphore, #tpu.memory_space<semaphore_mem>>)
    %dma_wait3A_137 = arith.constant 192 : i32
    %dma_wait3A_138 = arith.constant 0 : i32
    %dma_wait3A_139 = tpu.memref_slice %arg6[%dma_wait3A_137, %dma_wait3A_138] : memref<512x128xf32, #tpu.memory_space<vmem>> -> memref<64x128xf32, #tpu.memory_space<vmem>>
    %dma_wait3A_140 = arith.constant 192 : i32
    %dma_wait3A_141 = tpu.memref_slice %arg5[%dma_wait3A_140] : memref<512xi32, #tpu.memory_space<vmem>> -> memref<64xi32, #tpu.memory_space<vmem>>
    %dma_wait3A_142 = arith.constant 0 : i32
    %dma_wait3A_143 = arith.constant 0 : i32
    %dma_wait3A_144 = tpu.memref_slice %arg9[%dma_wait3A_142, %dma_wait3A_143] : memref<4x128xf32, #tpu.memory_space<vmem_shared>> -> memref<4x128xf32, #tpu.memory_space<vmem_shared>>
    tpu.wait_indirect_dma semaphore(%arg10 : memref<!tpu.dma_semaphore, #tpu.memory_space<semaphore_mem>>) src(%dma_wait3A_144 : memref<4x128xf32, #tpu.memory_space<vmem_shared>>) dst(%dma_wait3A_139 : memref<64x128xf32, #tpu.memory_space<vmem>>)
    %mul3A_145 = arith.constant 512 : i32
    %mul3A_146 = arith.muli %add3A, %mul3A_145 : i32
    %add3A_147 = arith.constant 192 : i32
    %add3A_148 = arith.addi %mul3A_146, %add3A_147 : i32
    %dma_start3A_149 = arith.constant 192 : i32
    %dma_start3A_150 = arith.constant 0 : i32
    %dma_start3A_151 = tpu.memref_slice %arg6[%dma_start3A_149, %dma_start3A_150] : memref<512x128xf32, #tpu.memory_space<vmem>> -> memref<64x128xf32, #tpu.memory_space<vmem>>
    %dma_start3A_152 = arith.constant 0 : i32
    %dma_start3A_153 = tpu.memref_slice %arg4[%add3A_148, %dma_start3A_152] : memref<16384x128xf32, #tpu.memory_space<hbm>> -> memref<64x128xf32, #tpu.memory_space<hbm>>
    %dma_start3A_154 = arith.constant 0 : i32
    %dma_start3A_155 = tpu.memref_slice %arg4[%add3A_148, %dma_start3A_154] : memref<16384x128xf32, #tpu.memory_space<hbm>> -> memref<64x128xf32, #tpu.memory_space<hbm>>
    %dma_start3A_156 = arith.constant 192 : i32
    %dma_start3A_157 = arith.constant 0 : i32
    %dma_start3A_158 = tpu.memref_slice %arg6[%dma_start3A_156, %dma_start3A_157] : memref<512x128xf32, #tpu.memory_space<vmem>> -> memref<64x128xf32, #tpu.memory_space<vmem>>
    tpu.enqueue_dma source(%dma_start3A_158 : memref<64x128xf32, #tpu.memory_space<vmem>>) target(%dma_start3A_155 : memref<64x128xf32, #tpu.memory_space<hbm>>) target_semaphore(%arg11 : memref<!tpu.dma_semaphore, #tpu.memory_space<semaphore_mem>>)
    %dma_wait3A_159 = arith.constant 256 : i32
    %dma_wait3A_160 = arith.constant 0 : i32
    %dma_wait3A_161 = tpu.memref_slice %arg6[%dma_wait3A_159, %dma_wait3A_160] : memref<512x128xf32, #tpu.memory_space<vmem>> -> memref<64x128xf32, #tpu.memory_space<vmem>>
    %dma_wait3A_162 = arith.constant 256 : i32
    %dma_wait3A_163 = tpu.memref_slice %arg5[%dma_wait3A_162] : memref<512xi32, #tpu.memory_space<vmem>> -> memref<64xi32, #tpu.memory_space<vmem>>
    %dma_wait3A_164 = arith.constant 0 : i32
    %dma_wait3A_165 = arith.constant 0 : i32
    %dma_wait3A_166 = tpu.memref_slice %arg9[%dma_wait3A_164, %dma_wait3A_165] : memref<4x128xf32, #tpu.memory_space<vmem_shared>> -> memref<4x128xf32, #tpu.memory_space<vmem_shared>>
    tpu.wait_indirect_dma semaphore(%arg10 : memref<!tpu.dma_semaphore, #tpu.memory_space<semaphore_mem>>) src(%dma_wait3A_166 : memref<4x128xf32, #tpu.memory_space<vmem_shared>>) dst(%dma_wait3A_161 : memref<64x128xf32, #tpu.memory_space<vmem>>)
    %mul3A_167 = arith.constant 512 : i32
    %mul3A_168 = arith.muli %add3A, %mul3A_167 : i32
    %add3A_169 = arith.constant 256 : i32
    %add3A_170 = arith.addi %mul3A_168, %add3A_169 : i32
    %dma_start3A_171 = arith.constant 256 : i32
    %dma_start3A_172 = arith.constant 0 : i32
    %dma_start3A_173 = tpu.memref_slice %arg6[%dma_start3A_171, %dma_start3A_172] : memref<512x128xf32, #tpu.memory_space<vmem>> -> memref<64x128xf32, #tpu.memory_space<vmem>>
    %dma_start3A_174 = arith.constant 0 : i32
    %dma_start3A_175 = tpu.memref_slice %arg4[%add3A_170, %dma_start3A_174] : memref<16384x128xf32, #tpu.memory_space<hbm>> -> memref<64x128xf32, #tpu.memory_space<hbm>>
    %dma_start3A_176 = arith.constant 0 : i32
    %dma_start3A_177 = tpu.memref_slice %arg4[%add3A_170, %dma_start3A_176] : memref<16384x128xf32, #tpu.memory_space<hbm>> -> memref<64x128xf32, #tpu.memory_space<hbm>>
    %dma_start3A_178 = arith.constant 256 : i32
    %dma_start3A_179 = arith.constant 0 : i32
    %dma_start3A_180 = tpu.memref_slice %arg6[%dma_start3A_178, %dma_start3A_179] : memref<512x128xf32, #tpu.memory_space<vmem>> -> memref<64x128xf32, #tpu.memory_space<vmem>>
    tpu.enqueue_dma source(%dma_start3A_180 : memref<64x128xf32, #tpu.memory_space<vmem>>) target(%dma_start3A_177 : memref<64x128xf32, #tpu.memory_space<hbm>>) target_semaphore(%arg11 : memref<!tpu.dma_semaphore, #tpu.memory_space<semaphore_mem>>)
    %dma_wait3A_181 = arith.constant 320 : i32
    %dma_wait3A_182 = arith.constant 0 : i32
    %dma_wait3A_183 = tpu.memref_slice %arg6[%dma_wait3A_181, %dma_wait3A_182] : memref<512x128xf32, #tpu.memory_space<vmem>> -> memref<64x128xf32, #tpu.memory_space<vmem>>
    %dma_wait3A_184 = arith.constant 320 : i32
    %dma_wait3A_185 = tpu.memref_slice %arg5[%dma_wait3A_184] : memref<512xi32, #tpu.memory_space<vmem>> -> memref<64xi32, #tpu.memory_space<vmem>>
    %dma_wait3A_186 = arith.constant 0 : i32
    %dma_wait3A_187 = arith.constant 0 : i32
    %dma_wait3A_188 = tpu.memref_slice %arg9[%dma_wait3A_186, %dma_wait3A_187] : memref<4x128xf32, #tpu.memory_space<vmem_shared>> -> memref<4x128xf32, #tpu.memory_space<vmem_shared>>
    tpu.wait_indirect_dma semaphore(%arg10 : memref<!tpu.dma_semaphore, #tpu.memory_space<semaphore_mem>>) src(%dma_wait3A_188 : memref<4x128xf32, #tpu.memory_space<vmem_shared>>) dst(%dma_wait3A_183 : memref<64x128xf32, #tpu.memory_space<vmem>>)
    %mul3A_189 = arith.constant 512 : i32
    %mul3A_190 = arith.muli %add3A, %mul3A_189 : i32
    %add3A_191 = arith.constant 320 : i32
    %add3A_192 = arith.addi %mul3A_190, %add3A_191 : i32
    %dma_start3A_193 = arith.constant 320 : i32
    %dma_start3A_194 = arith.constant 0 : i32
    %dma_start3A_195 = tpu.memref_slice %arg6[%dma_start3A_193, %dma_start3A_194] : memref<512x128xf32, #tpu.memory_space<vmem>> -> memref<64x128xf32, #tpu.memory_space<vmem>>
    %dma_start3A_196 = arith.constant 0 : i32
    %dma_start3A_197 = tpu.memref_slice %arg4[%add3A_192, %dma_start3A_196] : memref<16384x128xf32, #tpu.memory_space<hbm>> -> memref<64x128xf32, #tpu.memory_space<hbm>>
    %dma_start3A_198 = arith.constant 0 : i32
    %dma_start3A_199 = tpu.memref_slice %arg4[%add3A_192, %dma_start3A_198] : memref<16384x128xf32, #tpu.memory_space<hbm>> -> memref<64x128xf32, #tpu.memory_space<hbm>>
    %dma_start3A_200 = arith.constant 320 : i32
    %dma_start3A_201 = arith.constant 0 : i32
    %dma_start3A_202 = tpu.memref_slice %arg6[%dma_start3A_200, %dma_start3A_201] : memref<512x128xf32, #tpu.memory_space<vmem>> -> memref<64x128xf32, #tpu.memory_space<vmem>>
    tpu.enqueue_dma source(%dma_start3A_202 : memref<64x128xf32, #tpu.memory_space<vmem>>) target(%dma_start3A_199 : memref<64x128xf32, #tpu.memory_space<hbm>>) target_semaphore(%arg11 : memref<!tpu.dma_semaphore, #tpu.memory_space<semaphore_mem>>)
    %dma_wait3A_203 = arith.constant 384 : i32
    %dma_wait3A_204 = arith.constant 0 : i32
    %dma_wait3A_205 = tpu.memref_slice %arg6[%dma_wait3A_203, %dma_wait3A_204] : memref<512x128xf32, #tpu.memory_space<vmem>> -> memref<64x128xf32, #tpu.memory_space<vmem>>
    %dma_wait3A_206 = arith.constant 384 : i32
    %dma_wait3A_207 = tpu.memref_slice %arg5[%dma_wait3A_206] : memref<512xi32, #tpu.memory_space<vmem>> -> memref<64xi32, #tpu.memory_space<vmem>>
    %dma_wait3A_208 = arith.constant 0 : i32
    %dma_wait3A_209 = arith.constant 0 : i32
    %dma_wait3A_210 = tpu.memref_slice %arg9[%dma_wait3A_208, %dma_wait3A_209] : memref<4x128xf32, #tpu.memory_space<vmem_shared>> -> memref<4x128xf32, #tpu.memory_space<vmem_shared>>
    tpu.wait_indirect_dma semaphore(%arg10 : memref<!tpu.dma_semaphore, #tpu.memory_space<semaphore_mem>>) src(%dma_wait3A_210 : memref<4x128xf32, #tpu.memory_space<vmem_shared>>) dst(%dma_wait3A_205 : memref<64x128xf32, #tpu.memory_space<vmem>>)
    %mul3A_211 = arith.constant 512 : i32
    %mul3A_212 = arith.muli %add3A, %mul3A_211 : i32
    %add3A_213 = arith.constant 384 : i32
    %add3A_214 = arith.addi %mul3A_212, %add3A_213 : i32
    %dma_start3A_215 = arith.constant 384 : i32
    %dma_start3A_216 = arith.constant 0 : i32
    %dma_start3A_217 = tpu.memref_slice %arg6[%dma_start3A_215, %dma_start3A_216] : memref<512x128xf32, #tpu.memory_space<vmem>> -> memref<64x128xf32, #tpu.memory_space<vmem>>
    %dma_start3A_218 = arith.constant 0 : i32
    %dma_start3A_219 = tpu.memref_slice %arg4[%add3A_214, %dma_start3A_218] : memref<16384x128xf32, #tpu.memory_space<hbm>> -> memref<64x128xf32, #tpu.memory_space<hbm>>
    %dma_start3A_220 = arith.constant 0 : i32
    %dma_start3A_221 = tpu.memref_slice %arg4[%add3A_214, %dma_start3A_220] : memref<16384x128xf32, #tpu.memory_space<hbm>> -> memref<64x128xf32, #tpu.memory_space<hbm>>
    %dma_start3A_222 = arith.constant 384 : i32
    %dma_start3A_223 = arith.constant 0 : i32
    %dma_start3A_224 = tpu.memref_slice %arg6[%dma_start3A_222, %dma_start3A_223] : memref<512x128xf32, #tpu.memory_space<vmem>> -> memref<64x128xf32, #tpu.memory_space<vmem>>
    tpu.enqueue_dma source(%dma_start3A_224 : memref<64x128xf32, #tpu.memory_space<vmem>>) target(%dma_start3A_221 : memref<64x128xf32, #tpu.memory_space<hbm>>) target_semaphore(%arg11 : memref<!tpu.dma_semaphore, #tpu.memory_space<semaphore_mem>>)
    %dma_wait3A_225 = arith.constant 448 : i32
    %dma_wait3A_226 = arith.constant 0 : i32
    %dma_wait3A_227 = tpu.memref_slice %arg6[%dma_wait3A_225, %dma_wait3A_226] : memref<512x128xf32, #tpu.memory_space<vmem>> -> memref<64x128xf32, #tpu.memory_space<vmem>>
    %dma_wait3A_228 = arith.constant 448 : i32
    %dma_wait3A_229 = tpu.memref_slice %arg5[%dma_wait3A_228] : memref<512xi32, #tpu.memory_space<vmem>> -> memref<64xi32, #tpu.memory_space<vmem>>
    %dma_wait3A_230 = arith.constant 0 : i32
    %dma_wait3A_231 = arith.constant 0 : i32
    %dma_wait3A_232 = tpu.memref_slice %arg9[%dma_wait3A_230, %dma_wait3A_231] : memref<4x128xf32, #tpu.memory_space<vmem_shared>> -> memref<4x128xf32, #tpu.memory_space<vmem_shared>>
    tpu.wait_indirect_dma semaphore(%arg10 : memref<!tpu.dma_semaphore, #tpu.memory_space<semaphore_mem>>) src(%dma_wait3A_232 : memref<4x128xf32, #tpu.memory_space<vmem_shared>>) dst(%dma_wait3A_227 : memref<64x128xf32, #tpu.memory_space<vmem>>)
    %mul3A_233 = arith.constant 512 : i32
    %mul3A_234 = arith.muli %add3A, %mul3A_233 : i32
    %add3A_235 = arith.constant 448 : i32
    %add3A_236 = arith.addi %mul3A_234, %add3A_235 : i32
    %dma_start3A_237 = arith.constant 448 : i32
    %dma_start3A_238 = arith.constant 0 : i32
    %dma_start3A_239 = tpu.memref_slice %arg6[%dma_start3A_237, %dma_start3A_238] : memref<512x128xf32, #tpu.memory_space<vmem>> -> memref<64x128xf32, #tpu.memory_space<vmem>>
    %dma_start3A_240 = arith.constant 0 : i32
    %dma_start3A_241 = tpu.memref_slice %arg4[%add3A_236, %dma_start3A_240] : memref<16384x128xf32, #tpu.memory_space<hbm>> -> memref<64x128xf32, #tpu.memory_space<hbm>>
    %dma_start3A_242 = arith.constant 0 : i32
    %dma_start3A_243 = tpu.memref_slice %arg4[%add3A_236, %dma_start3A_242] : memref<16384x128xf32, #tpu.memory_space<hbm>> -> memref<64x128xf32, #tpu.memory_space<hbm>>
    %dma_start3A_244 = arith.constant 448 : i32
    %dma_start3A_245 = arith.constant 0 : i32
    %dma_start3A_246 = tpu.memref_slice %arg6[%dma_start3A_244, %dma_start3A_245] : memref<512x128xf32, #tpu.memory_space<vmem>> -> memref<64x128xf32, #tpu.memory_space<vmem>>
    tpu.enqueue_dma source(%dma_start3A_246 : memref<64x128xf32, #tpu.memory_space<vmem>>) target(%dma_start3A_243 : memref<64x128xf32, #tpu.memory_space<hbm>>) target_semaphore(%arg11 : memref<!tpu.dma_semaphore, #tpu.memory_space<semaphore_mem>>)
    %dma_wait3A_247 = arith.constant 0 : i32
    %dma_wait3A_248 = arith.constant 0 : i32
    %dma_wait3A_249 = tpu.memref_slice %arg6[%dma_wait3A_247, %dma_wait3A_248] : memref<512x128xf32, #tpu.memory_space<vmem>> -> memref<64x128xf32, #tpu.memory_space<vmem>>
    %dma_wait3A_250 = arith.constant 0 : i32
    %dma_wait3A_251 = tpu.memref_slice %arg4[%add3A_82, %dma_wait3A_250] : memref<16384x128xf32, #tpu.memory_space<hbm>> -> memref<64x128xf32, #tpu.memory_space<hbm>>
    %dma_wait3A_252 = arith.constant 0 : i32
    %dma_wait3A_253 = tpu.memref_slice %arg4[%add3A_82, %dma_wait3A_252] : memref<16384x128xf32, #tpu.memory_space<hbm>> -> memref<64x128xf32, #tpu.memory_space<hbm>>
    %dma_wait3A_254 = arith.constant 0 : i32
    %dma_wait3A_255 = arith.constant 0 : i32
    %dma_wait3A_256 = tpu.memref_slice %arg6[%dma_wait3A_254, %dma_wait3A_255] : memref<512x128xf32, #tpu.memory_space<vmem>> -> memref<64x128xf32, #tpu.memory_space<vmem>>
    tpu.wait_dma2 semaphore(%arg11 : memref<!tpu.dma_semaphore, #tpu.memory_space<semaphore_mem>>) src(%dma_wait3A_256 : memref<64x128xf32, #tpu.memory_space<vmem>>) dst(%dma_wait3A_253 : memref<64x128xf32, #tpu.memory_space<hbm>>)
    %dma_wait3A_257 = arith.constant 64 : i32
    %dma_wait3A_258 = arith.constant 0 : i32
    %dma_wait3A_259 = tpu.memref_slice %arg6[%dma_wait3A_257, %dma_wait3A_258] : memref<512x128xf32, #tpu.memory_space<vmem>> -> memref<64x128xf32, #tpu.memory_space<vmem>>
    %dma_wait3A_260 = arith.constant 0 : i32
    %dma_wait3A_261 = tpu.memref_slice %arg4[%add3A_104, %dma_wait3A_260] : memref<16384x128xf32, #tpu.memory_space<hbm>> -> memref<64x128xf32, #tpu.memory_space<hbm>>
    %dma_wait3A_262 = arith.constant 0 : i32
    %dma_wait3A_263 = tpu.memref_slice %arg4[%add3A_104, %dma_wait3A_262] : memref<16384x128xf32, #tpu.memory_space<hbm>> -> memref<64x128xf32, #tpu.memory_space<hbm>>
    %dma_wait3A_264 = arith.constant 64 : i32
    %dma_wait3A_265 = arith.constant 0 : i32
    %dma_wait3A_266 = tpu.memref_slice %arg6[%dma_wait3A_264, %dma_wait3A_265] : memref<512x128xf32, #tpu.memory_space<vmem>> -> memref<64x128xf32, #tpu.memory_space<vmem>>
    tpu.wait_dma2 semaphore(%arg11 : memref<!tpu.dma_semaphore, #tpu.memory_space<semaphore_mem>>) src(%dma_wait3A_266 : memref<64x128xf32, #tpu.memory_space<vmem>>) dst(%dma_wait3A_263 : memref<64x128xf32, #tpu.memory_space<hbm>>)
    %dma_wait3A_267 = arith.constant 128 : i32
    %dma_wait3A_268 = arith.constant 0 : i32
    %dma_wait3A_269 = tpu.memref_slice %arg6[%dma_wait3A_267, %dma_wait3A_268] : memref<512x128xf32, #tpu.memory_space<vmem>> -> memref<64x128xf32, #tpu.memory_space<vmem>>
    %dma_wait3A_270 = arith.constant 0 : i32
    %dma_wait3A_271 = tpu.memref_slice %arg4[%add3A_126, %dma_wait3A_270] : memref<16384x128xf32, #tpu.memory_space<hbm>> -> memref<64x128xf32, #tpu.memory_space<hbm>>
    %dma_wait3A_272 = arith.constant 0 : i32
    %dma_wait3A_273 = tpu.memref_slice %arg4[%add3A_126, %dma_wait3A_272] : memref<16384x128xf32, #tpu.memory_space<hbm>> -> memref<64x128xf32, #tpu.memory_space<hbm>>
    %dma_wait3A_274 = arith.constant 128 : i32
    %dma_wait3A_275 = arith.constant 0 : i32
    %dma_wait3A_276 = tpu.memref_slice %arg6[%dma_wait3A_274, %dma_wait3A_275] : memref<512x128xf32, #tpu.memory_space<vmem>> -> memref<64x128xf32, #tpu.memory_space<vmem>>
    tpu.wait_dma2 semaphore(%arg11 : memref<!tpu.dma_semaphore, #tpu.memory_space<semaphore_mem>>) src(%dma_wait3A_276 : memref<64x128xf32, #tpu.memory_space<vmem>>) dst(%dma_wait3A_273 : memref<64x128xf32, #tpu.memory_space<hbm>>)
    %dma_wait3A_277 = arith.constant 192 : i32
    %dma_wait3A_278 = arith.constant 0 : i32
    %dma_wait3A_279 = tpu.memref_slice %arg6[%dma_wait3A_277, %dma_wait3A_278] : memref<512x128xf32, #tpu.memory_space<vmem>> -> memref<64x128xf32, #tpu.memory_space<vmem>>
    %dma_wait3A_280 = arith.constant 0 : i32
    %dma_wait3A_281 = tpu.memref_slice %arg4[%add3A_148, %dma_wait3A_280] : memref<16384x128xf32, #tpu.memory_space<hbm>> -> memref<64x128xf32, #tpu.memory_space<hbm>>
    %dma_wait3A_282 = arith.constant 0 : i32
    %dma_wait3A_283 = tpu.memref_slice %arg4[%add3A_148, %dma_wait3A_282] : memref<16384x128xf32, #tpu.memory_space<hbm>> -> memref<64x128xf32, #tpu.memory_space<hbm>>
    %dma_wait3A_284 = arith.constant 192 : i32
    %dma_wait3A_285 = arith.constant 0 : i32
    %dma_wait3A_286 = tpu.memref_slice %arg6[%dma_wait3A_284, %dma_wait3A_285] : memref<512x128xf32, #tpu.memory_space<vmem>> -> memref<64x128xf32, #tpu.memory_space<vmem>>
    tpu.wait_dma2 semaphore(%arg11 : memref<!tpu.dma_semaphore, #tpu.memory_space<semaphore_mem>>) src(%dma_wait3A_286 : memref<64x128xf32, #tpu.memory_space<vmem>>) dst(%dma_wait3A_283 : memref<64x128xf32, #tpu.memory_space<hbm>>)
    %dma_wait3A_287 = arith.constant 256 : i32
    %dma_wait3A_288 = arith.constant 0 : i32
    %dma_wait3A_289 = tpu.memref_slice %arg6[%dma_wait3A_287, %dma_wait3A_288] : memref<512x128xf32, #tpu.memory_space<vmem>> -> memref<64x128xf32, #tpu.memory_space<vmem>>
    %dma_wait3A_290 = arith.constant 0 : i32
    %dma_wait3A_291 = tpu.memref_slice %arg4[%add3A_170, %dma_wait3A_290] : memref<16384x128xf32, #tpu.memory_space<hbm>> -> memref<64x128xf32, #tpu.memory_space<hbm>>
    %dma_wait3A_292 = arith.constant 0 : i32
    %dma_wait3A_293 = tpu.memref_slice %arg4[%add3A_170, %dma_wait3A_292] : memref<16384x128xf32, #tpu.memory_space<hbm>> -> memref<64x128xf32, #tpu.memory_space<hbm>>
    %dma_wait3A_294 = arith.constant 256 : i32
    %dma_wait3A_295 = arith.constant 0 : i32
    %dma_wait3A_296 = tpu.memref_slice %arg6[%dma_wait3A_294, %dma_wait3A_295] : memref<512x128xf32, #tpu.memory_space<vmem>> -> memref<64x128xf32, #tpu.memory_space<vmem>>
    tpu.wait_dma2 semaphore(%arg11 : memref<!tpu.dma_semaphore, #tpu.memory_space<semaphore_mem>>) src(%dma_wait3A_296 : memref<64x128xf32, #tpu.memory_space<vmem>>) dst(%dma_wait3A_293 : memref<64x128xf32, #tpu.memory_space<hbm>>)
    %dma_wait3A_297 = arith.constant 320 : i32
    %dma_wait3A_298 = arith.constant 0 : i32
    %dma_wait3A_299 = tpu.memref_slice %arg6[%dma_wait3A_297, %dma_wait3A_298] : memref<512x128xf32, #tpu.memory_space<vmem>> -> memref<64x128xf32, #tpu.memory_space<vmem>>
    %dma_wait3A_300 = arith.constant 0 : i32
    %dma_wait3A_301 = tpu.memref_slice %arg4[%add3A_192, %dma_wait3A_300] : memref<16384x128xf32, #tpu.memory_space<hbm>> -> memref<64x128xf32, #tpu.memory_space<hbm>>
    %dma_wait3A_302 = arith.constant 0 : i32
    %dma_wait3A_303 = tpu.memref_slice %arg4[%add3A_192, %dma_wait3A_302] : memref<16384x128xf32, #tpu.memory_space<hbm>> -> memref<64x128xf32, #tpu.memory_space<hbm>>
    %dma_wait3A_304 = arith.constant 320 : i32
    %dma_wait3A_305 = arith.constant 0 : i32
    %dma_wait3A_306 = tpu.memref_slice %arg6[%dma_wait3A_304, %dma_wait3A_305] : memref<512x128xf32, #tpu.memory_space<vmem>> -> memref<64x128xf32, #tpu.memory_space<vmem>>
    tpu.wait_dma2 semaphore(%arg11 : memref<!tpu.dma_semaphore, #tpu.memory_space<semaphore_mem>>) src(%dma_wait3A_306 : memref<64x128xf32, #tpu.memory_space<vmem>>) dst(%dma_wait3A_303 : memref<64x128xf32, #tpu.memory_space<hbm>>)
    %dma_wait3A_307 = arith.constant 384 : i32
    %dma_wait3A_308 = arith.constant 0 : i32
    %dma_wait3A_309 = tpu.memref_slice %arg6[%dma_wait3A_307, %dma_wait3A_308] : memref<512x128xf32, #tpu.memory_space<vmem>> -> memref<64x128xf32, #tpu.memory_space<vmem>>
    %dma_wait3A_310 = arith.constant 0 : i32
    %dma_wait3A_311 = tpu.memref_slice %arg4[%add3A_214, %dma_wait3A_310] : memref<16384x128xf32, #tpu.memory_space<hbm>> -> memref<64x128xf32, #tpu.memory_space<hbm>>
    %dma_wait3A_312 = arith.constant 0 : i32
    %dma_wait3A_313 = tpu.memref_slice %arg4[%add3A_214, %dma_wait3A_312] : memref<16384x128xf32, #tpu.memory_space<hbm>> -> memref<64x128xf32, #tpu.memory_space<hbm>>
    %dma_wait3A_314 = arith.constant 384 : i32
    %dma_wait3A_315 = arith.constant 0 : i32
    %dma_wait3A_316 = tpu.memref_slice %arg6[%dma_wait3A_314, %dma_wait3A_315] : memref<512x128xf32, #tpu.memory_space<vmem>> -> memref<64x128xf32, #tpu.memory_space<vmem>>
    tpu.wait_dma2 semaphore(%arg11 : memref<!tpu.dma_semaphore, #tpu.memory_space<semaphore_mem>>) src(%dma_wait3A_316 : memref<64x128xf32, #tpu.memory_space<vmem>>) dst(%dma_wait3A_313 : memref<64x128xf32, #tpu.memory_space<hbm>>)
    %dma_wait3A_317 = arith.constant 448 : i32
    %dma_wait3A_318 = arith.constant 0 : i32
    %dma_wait3A_319 = tpu.memref_slice %arg6[%dma_wait3A_317, %dma_wait3A_318] : memref<512x128xf32, #tpu.memory_space<vmem>> -> memref<64x128xf32, #tpu.memory_space<vmem>>
    %dma_wait3A_320 = arith.constant 0 : i32
    %dma_wait3A_321 = tpu.memref_slice %arg4[%add3A_236, %dma_wait3A_320] : memref<16384x128xf32, #tpu.memory_space<hbm>> -> memref<64x128xf32, #tpu.memory_space<hbm>>
    %dma_wait3A_322 = arith.constant 0 : i32
    %dma_wait3A_323 = tpu.memref_slice %arg4[%add3A_236, %dma_wait3A_322] : memref<16384x128xf32, #tpu.memory_space<hbm>> -> memref<64x128xf32, #tpu.memory_space<hbm>>
    %dma_wait3A_324 = arith.constant 448 : i32
    %dma_wait3A_325 = arith.constant 0 : i32
    %dma_wait3A_326 = tpu.memref_slice %arg6[%dma_wait3A_324, %dma_wait3A_325] : memref<512x128xf32, #tpu.memory_space<vmem>> -> memref<64x128xf32, #tpu.memory_space<vmem>>
    tpu.wait_dma2 semaphore(%arg11 : memref<!tpu.dma_semaphore, #tpu.memory_space<semaphore_mem>>) src(%dma_wait3A_326 : memref<64x128xf32, #tpu.memory_space<vmem>>) dst(%dma_wait3A_323 : memref<64x128xf32, #tpu.memory_space<hbm>>)
    return
  }
}

</mosaic_0001>

<sc_bundles>
// kernel: _sc_gather.3.cloned.1.call-start
scs
__scs_entry_jumppad:
0x0: {  	(pc) =	sbr.rel $0x88, $3  }
0x1: {  	(tag) =	ssettag $0x0;
	lr =	simm.s32 $0x1  }
0x2: {  	[smem:$0x3F9F] =	sst lr;
	_ =	strace $0xD0000000  }
0x3: {  	_ = 	snop  }
0x4: {  	_ = 	snop  }
0x5: {  	_ = 	snop  }
0x6: {  	_ = 	snop  }
0x7: {  	_ = 	snop  }
__scs_overlays_trampoline_lowered:
0x8: {  	[smem:$0x3FAE] =	sst s0  }
0x9: {  	[smem:$0x3FAF] =	sst s1  }
0xa: {  	[smem:$0x3FB0] =	sst s2  }
0xb: {  	[smem:$0x3FB1] =	sst s3  }
0xc: {  	[smem:$0x3FB2] =	sst s4  }
0xd: {  	[smem:$0x3FB3] =	sst s5  }
0xe: {  	[smem:$0x3FB4] =	sst s6  }
0xf: {  	[smem:$0x3FB5] =	sst s7  }
0x10: {  	[smem:$0x3FB6] =	sst s8  }
0x11: {  	[smem:$0x3FB7] =	sst s9;
	s0 =	simm.s32 @!p0 $0x0  }
0x12: {  	s1 =	sld [smem:$0x3F9D];
	s0 =	simm.s32 @p0 $0x1  }
0x13: {  	[smem:$0x3FB8] =	sst s0;
	s0 =	simm.s32 @!p1 $0x0  }
0x14: {  	s2 =	sld [smem:$0x3F9C];
	s0 =	simm.s32 @p1 $0x1  }
0x15: {  	[smem:$0x3FB9] =	sst s0;
	s0 =	simm.s32 @!p2 $0x0  }
0x16: {  	s3 =	sld [smem:$0x3FDB];
	s0 =	simm.s32 @p2 $0x1  }
0x17: {  	s4 =	simm.s32 $0x1BF5;
	[smem:$0x3FBB] =	sst s0  }
0x18: {  	s0 =	sld [smem:$0x3F9E];
	_ =	swait.ge [sflag:s4], $0x0  }
0x19: {  	s7 =	sld [smem:$0x3F9F]  }
0x1a: {  	s8 =	sadd.s32 $0xFFFFE003, lr  }
0x1b: {  	s9 =	sadd.s32 $0xFFFFFEF7, lr;
	s5 =	simm.s32 $0xFFFFFFFF;
	p2 =	slt.u32 s8, $0xFFFFF086  }
0x1c: {  	p1 =	slt.u32 s9, $0xF7A;
	s5 =	simm.s32 @!p2 $0x0  }
0x1d: {  	s5 =	simm.s32 @p1 $0x1;
	p0 =	seq.s32 s7, s2  }
0x1e: {  	s7 =	smul.u32 @!p0 $0xF7A, s2;
	p2 =	seq.s32 @!p0 s5, $0x0  }
0x1f: {  	s9 =	smul.u32 $0xF7A, s1;
	s8 =	simm.s32 @!p0 $0x1BF5;
	p2 =	por !p2, p0  }
0x20: {  	[sflag:s8] =	ssyncset.s32 @!p0 $0xFFFFF086;
	s6 =	sadd.s32 @!p0 s3, s7;
	s7 =	simm.s32 @!p0 $0x108  }
0x21: {  	s3 =	sadd.s32 s3, s9;
	s6 =	sadd.s32 @!p0 $0x88, s6;
	s7 =	simm.s32 @p2 $0x1082  }
0x22: {  	[simem:s7], [sflag:s8] =	dma.local @!p0 [hbm:s6], $0xF7A  }
0x23: {  	s9 =	sor.u32 $0xD0000000, s2;
	s6 =	simm.s32 $0x108;
	_ =	swait.ge @!p0 [sflag:s8], $0x0  }
0x24: {  	s3 =	sadd.s32 $0x88, s3;
	s6 =	simm.s32 @!p1 $0x1082;
	[sflag:s4] =	ssyncset.s32 $0xFFFFF086  }
0x25: {  	[simem:s6], [sflag:s4] =	dma.local [hbm:s3], $0xF7A  }
0x26: {  	[smem:$0x3F9F] =	sst s1;
	(tag) =	ssettag s2;
	_ =	strace s9  }
0x27: {  	s1 =	sld [smem:$0x3FAF]  }
0x28: {  	s2 =	sld [smem:$0x3FB0]  }
0x29: {  	s4 =	sld [smem:$0x3FB2]  }
0x2a: {  	p0 =	seq.s32 s5, $0x0;
	s5 =	sld [smem:$0x3FB3]  }
0x2b: {  	s6 =	sld [smem:$0x3FB4]  }
0x2c: {  	s7 =	sld [smem:$0x3FB5]  }
0x2d: {  	s3 =	simm.s32 $0x108;
	s8 =	sld [smem:$0x3FB6]  }
0x2e: {  	s3 =	simm.s32 @!p0 $0x1082;
	s9 =	sld [smem:$0x3FB7]  }
0x2f: {  	lr =	sadd.s32 s0, s3;
	s0 =	sld [smem:$0x3FAE]  }
0x30: {  	s3 =	sld [smem:$0x3FB1]  }
0x31: {  	[smem:$0x3FBA] =	sst s10  }
0x32: {  	s10 =	sld [smem:$0x3FB8];
	_ =	sdelay $0x3  }
0x33: {  	p0 =	seq.s32 s10, $0x1;
	s10 =	sld [smem:$0x3FBA];
	_ =	sdelay $0x3  }
0x34: {  	[smem:$0x3FBA] =	sst s10  }
0x35: {  	s10 =	sld [smem:$0x3FB9];
	_ =	sdelay $0x3  }
0x36: {  	p1 =	seq.s32 s10, $0x1;
	s10 =	sld [smem:$0x3FBA];
	_ =	sdelay $0x3  }
0x37: {  	[smem:$0x3FBA] =	sst s10  }
0x38: {  	s10 =	sld [smem:$0x3FBB]  }
0x39: {  	_ = 	snop;
	(pc) =	sbr.ind lr, $3  }
0x3a: {  	_ = 	snop  }
0x3b: {  	_ = 	snop  }
0x3c: {  	p2 =	seq.s32 s10, $0x1;
	s10 =	sld [smem:$0x3FBA]  }
0x3d: {  	_ =	shalt  }
0x3e: {  	_ =	shalt  }
0x3f: {  	_ =	shalt  }
0x40: {  	_ =	shalt  }
0x41: {  	_ =	shalt  }
0x42: {  	_ =	shalt  }
0x43: {  	_ =	shalt  }
0x44: {  	_ =	shalt  }
0x45: {  	_ =	shalt  }
0x46: {  	_ =	shalt  }
0x47: {  	_ =	shalt  }
0x48: {  	_ =	shalt  }
0x49: {  	_ =	shalt  }
0x4a: {  	_ =	shalt  }
0x4b: {  	_ =	shalt  }
0x4c: {  	_ =	shalt  }
0x4d: {  	_ =	shalt  }
0x4e: {  	_ =	shalt  }
0x4f: {  	_ =	shalt  }
0x50: {  	_ =	shalt  }
0x51: {  	_ =	shalt  }
0x52: {  	_ =	shalt  }
0x53: {  	_ =	shalt  }
0x54: {  	_ =	shalt  }
0x55: {  	_ =	shalt  }
0x56: {  	_ =	shalt  }
0x57: {  	_ =	shalt  }
0x58: {  	_ =	shalt  }
0x59: {  	_ =	shalt  }
0x5a: {  	_ =	shalt  }
0x5b: {  	_ =	shalt  }
0x5c: {  	_ =	shalt  }
0x5d: {  	_ =	shalt  }
0x5e: {  	_ =	shalt  }
0x5f: {  	_ =	shalt  }
0x60: {  	_ =	shalt  }
0x61: {  	_ =	shalt  }
0x62: {  	_ =	shalt  }
0x63: {  	_ =	shalt  }
0x64: {  	_ =	shalt  }
0x65: {  	_ =	shalt  }
0x66: {  	_ =	shalt  }
0x67: {  	_ =	shalt  }
0x68: {  	_ =	shalt  }
0x69: {  	_ =	shalt  }
0x6a: {  	_ =	shalt  }
0x6b: {  	_ =	shalt  }
0x6c: {  	_ =	shalt  }
0x6d: {  	_ =	shalt  }
0x6e: {  	_ =	shalt  }
0x6f: {  	_ =	shalt  }
0x70: {  	_ =	shalt  }
0x71: {  	_ =	shalt  }
0x72: {  	_ =	shalt  }
0x73: {  	_ =	shalt  }
0x74: {  	_ =	shalt  }
0x75: {  	_ =	shalt  }
0x76: {  	_ =	shalt  }
0x77: {  	_ =	shalt  }
0x78: {  	_ =	shalt  }
0x79: {  	_ =	shalt  }
0x7a: {  	_ =	shalt  }
0x7b: {  	_ =	shalt  }
0x7c: {  	_ =	shalt  }
0x7d: {  	_ =	shalt  }
0x7e: {  	_ =	shalt  }
0x7f: {  	_ =	shalt  }
0x80: {  	_ =	shalt  }
0x81: {  	_ =	shalt  }
0x82: {  	_ =	shalt  }
0x83: {  	_ =	shalt  }
0x84: {  	_ =	shalt  }
0x85: {  	_ =	shalt  }
0x86: {  	_ =	shalt  }
0x87: {  	_ =	shalt  }
.Lfunc_end0:
.L_simem_size_0:
called_computation_lowered:
.L_overlay_start_0:
0x88: {  	s2 =	sld [smem:$0x3FD9]  }
0x89: {  	s3 =	sld [smem:$0x3FFE];
	_ =	sdelay $0x1  }
0x8a: {  	s1 =	srdreg.scid  }
0x8b: {  	s0 =	sand.u32 $0x1, s1  }
0x8c: {  	s18 =	sshll.u32 s0, $0xA;
	s2 =	sadd.s32 s3, s2  }
0x8d: {  	s2 =	sadd.s32 s2, s18  }
0x8e: {  	[smem:$0x3FC6] =	sst s2  }
0x8f: {  	_ = 	snop  }
0x90: {  	s2 =	sld [smem:$0x3FC9]  }
0x91: {  	s19 =	sld [smem:$0x3FC8]  }
0x92: {  	s4 =	sld [smem:$0x3FD0];
	(tm) =	ssettm $0x1  }
0x93: {  	s5 =	sld [smem:$0x3FFB];
	_ =	sdelay $0x3  }
0x94: {  	_ =	strace s5  }
0x95: {  	s5 =	sld [smem:$0x3FFC];
	_ =	sdelay $0x3  }
0x96: {  	_ =	strace s5  }
0x97: {  	s5 =	sld [smem:$0x3FFD];
	_ =	sdelay $0x3  }
0x98: {  	_ =	strace s5  }
0x99: {  	_ =	strace $0x8FFFFFFF  }
0x9a: {  	s20 =	sld [smem:$0x3FDB];
	_ =	sdelay $0x1  }
0x9b: {  	s6 =	simm.s32 $_scs_section_size  }
0x9c: {  	s7 =	simm.s32 $_size__tile_overlayer_lowered;
	s8 =	simm.s32 $_tile_overlayer_lowered  }
0x9d: {  	s23 =	simm.s32 $0x1BFF;
	s22 =	sshll.u32 s8, $0x1;
	s5 =	sadd.s32 s6, s20  }
0x9e: {  	s9 =	simm.s32 $0x0;
	s21 =	sshll.u32 s7, $0x1;
	s7 =	sadd.s32 s22, s5  }
0x9f: {  	[timem:s9], [sflag:s23] =	dma.local [hbm:s7], s21  }
0xa0: {  	_ =	swait.ge [sflag:s23], s21  }
0xa1: {  	s6 =	ssub.s32 $0x0, s21;
	[sflag:s23] =	ssyncset.done $0x0  }
0xa2: {  	[sflag:s23] =	ssyncadd.s32 s6;
	_ =	sdelay $0x1  }
0xa3: {  	s24 =	simm.s32 $0x1B8B  }
0xa4: {  	_ =	swait.ge [sflag:s24], $0x1  }
0xa5: {  	[sflag:s24] =	ssyncset.done $0x0  }
0xa6: {  	s25 =	simm.s32 $0x1B8E;
	[sflag:s24] =	ssyncadd.s32 $0xFFFFFFFF  }
0xa7: {  	s26 =	simm.s32 $execute0_lowered;
	[smem:$0x3FD2] =	sst s25  }
0xa8: {  	s6 =	sshll.u32 s26, $0x1;
	_ =	strace $0x80000046;
	[dreg:$0x1] =	wrdreg $0xFFFFFFFF  }
0xa9: {  	s28 =	simm.s32 $_size_execute0_lowered;
	s5 =	sadd.s32 s5, s6;
	[dreg:$0x0] =	wrdreg $0x0  }
0xaa: {  	s6 =	sshll.u32 s28, $0x1;
	[dreg:$0x2] =	wrdreg s5  }
0xab: {  	[dreg:$0x3] =	wrdreg s6  }
0xac: {  	[dreg:$0x4] =	wrdreg $0xC0  }
0xad: {  	_ =	task [dreg:s9], $0x5FFFF  }
0xae: {  	[dreg:$0x1] =	wrdreg $0xFFFFFFFF  }
0xaf: {  	[dreg:$0x0] =	wrdreg $0x60  }
0xb0: {  	[dreg:$0x2] =	wrdreg s2  }
0xb1: {  	[dreg:$0x3] =	wrdreg s19  }
0xb2: {  	[dreg:$0x4] =	wrdreg s4  }
0xb3: {  	[dreg:$0x5] =	wrdreg $0x104800  }
0xb4: {  	[dreg:$0x6] =	wrdreg $0x9  }
0xb5: {  	_ =	task.clear_ibuf [dreg:s9], $0x7FFFF;
	_ =	strace $0x90000046  }
0xb6: {  	s29 =	simm.s32 $0x9;
	_ =	strace $0x80000048  }
0xb7: {  	_ =	swait.ge [sflag:s29], $0x1  }
0xb8: {  	[sflag:s29] =	ssyncadd.s32 $0xFFFFFFFF  }
0xb9: {  	_ =	strace $0x90000048  }
0xba: {  	_ =	sfence  }
0xbb: {  	s30 =	sld [smem:$0x0];
	_ =	sdelay $0x2  }
0xbc: {  	s31 =	sshll.u32 s1, $0xD;
	s1 =	sshrl.u32 s1, $0x2  }
0xbd: {  	s3 =	sand.u32 $0x4000, s31;
	s1 =	sadd.s32 s1, s30  }
0xbe: {  	s0 =	sor.u32 s3, s0;
	s1 =	sshll.u32 s1, $0x11  }
0xbf: {  	s0 =	sor.u32 s1, s0  }
0xc0: {  	s0 =	sadd.s32 $0x8F2B, s0  }
0xc1: {  	[sflag:s0] =	ssyncadd.remote.s32 $0x1  }
0xc2: {  	_ =	sfence.sel $0xFFFF  }
0xc3: {  	[dreg:$0x0] =	wrdreg $0xFFFFFFFF;
	(pc) =	sbr.abs _section_cstart, $3  }
0xc4: {  	[dreg:$0x1] =	wrdreg $0xFFFFFFFF  }
0xc5: {  	_ =	task.clear_ibuf [dreg:s9], $0x2FFFF;
	_ =	strace $0x9FFFFFFF  }
0xc6: {  	(tm) =	ssettm $0x7FFFFFFF  }
0xc7: {  	_ =	shalt  }
tec
execute0_lowered:
.L_overlay_start_1:
0x0: {  	(tag) =	ssettag $0x1  }
0x1: {  	s0 =	rddreg [dreg:$0x0]  }
0x2: {  	s1 =	rddreg [dreg:$0x2]  }
0x3: {  	s2 =	rddreg [dreg:$0x3]  }
0x4: {  	s3 =	srdreg.scid;
	s14 =	stileid.u32;
	s15 =	simm.s32 $0x3  }
0x5: {  	s16 =	simm.s32 $0x2;
	s17 =	simm.s32 $0x40;
	s18 =	simm.s32 $0x200  }
0x6: {  	s19 =	simm.s32 $0x2200;
	s21 =	simm.s32 $0x4200;
	s22 =	simm.s32 $0xC0  }
0x7: {  	s23 =	simm.s32 $0x6200;
	s28 =	simm.s32 $0xA200;
	s29 =	simm.s32 $0x180  }
0x8: {  	s30 =	simm.s32 $0xC200;
	s31 =	simm.s32 $0x1C0;
	s20 =	simm.s32 $0x10200  }
0x9: {  	s4 =	sand.u32 $0x1, s3;
	s3 =	simm.s32 $0x0;
	s6 =	sshll.u32 s14, $0x9  }
0xa: {  	p0 =	sne.s32 s14, $0x0;
	s14 =	simm.s32 $0x80;
	s5 =	sshll.u32 s4, $0xD  }
0xb: {  	[smem:$0x7FF] =	sst s3;
	s24 =	ssub.s32 $0x2, s4;
	s5 =	sor.u32 s6, s5  }
0xc: {  	_ =	strace $0x80000047;
	s7 =	sshrl.u32 s24, $0x1;
	s25 =	sshll.u32 s5, $0x4  }
0xd: {  	s5 =	sshrl.u32 s5, $0x3;
	s26 =	ssub.s32 s24, s7;
	s24 =	simm.s32 $0x100  }
.Ltmp0:
0xe: {  	s4 =	sadd.s32 s1, s25;
	s5 =	sadd.s32 s0, s5;
	(pc) =	sbr.rel .LBB2_1-.Ltmp0, $4  }
0xf: {  	s13 =	smax.u32 s26, $0x1;
	s25 =	simm.s32 $0x8200;
	s26 =	simm.s32 $0x140  }
0x10: {  	s0 =	simm.s32 $0xE200;
	s1 =	simm.s32 $0x1;
	s6 =	sadd.s32 $0x400, s4  }
0x11: {  	s7 =	sadd.s32 $0x800, s4;
	s8 =	sadd.s32 $0xC00, s4;
	s9 =	sadd.s32 $0x1000, s4  }
0x12: {  	s10 =	sadd.s32 $0x1400, s4;
	s11 =	sadd.s32 $0x1800, s4;
	s12 =	sadd.s32 $0x1C00, s4  }
.LBB2_3:
0x13: {  	[bflag:$0x0] =	sbarrier.arrive $0xFFFF  }
0x14: {  	_ =	swait.ge [sflag:s16], $0x200  }
0x15: {  	[sflag:s16] =	ssyncset.done $0x0  }
0x16: {  	[sflag:s16] =	ssyncadd.s32 $0xFFFFFE00  }
0x17: {  	[tilespmem:s18], [sflag:$0x1] =	stream.indirect.gather [spmem:s2], $0x80, s3, s17, $0xb8;
	[tilespmem:$0x104A0] =	vst v63  }
0x18: {  	_ = 	snop  }
0x19: {  	[tilespmem:s19], [sflag:$0x1] =	stream.indirect.gather [spmem:s2], $0x80, s17, s17, $0xb8;
	[tilespmem:$0x104A0] =	vst v63  }
0x1a: {  	_ = 	snop  }
0x1b: {  	[tilespmem:s21], [sflag:$0x1] =	stream.indirect.gather [spmem:s2], $0x80, s14, s17, $0xb8;
	[tilespmem:$0x104A0] =	vst v63  }
0x1c: {  	_ = 	snop  }
0x1d: {  	[tilespmem:s23], [sflag:$0x1] =	stream.indirect.gather [spmem:s2], $0x80, s22, s17, $0xb8;
	[tilespmem:$0x104A0] =	vst v63  }
0x1e: {  	_ = 	snop  }
0x1f: {  	[tilespmem:s25], [sflag:$0x1] =	stream.indirect.gather [spmem:s2], $0x80, s24, s17, $0xb8;
	[tilespmem:$0x104A0] =	vst v63  }
0x20: {  	_ = 	snop  }
0x21: {  	[tilespmem:s28], [sflag:$0x1] =	stream.indirect.gather [spmem:s2], $0x80, s26, s17, $0xb8;
	[tilespmem:$0x104A0] =	vst v63  }
0x22: {  	_ = 	snop  }
0x23: {  	[tilespmem:s30], [sflag:$0x1] =	stream.indirect.gather [spmem:s2], $0x80, s29, s17, $0xb8;
	[tilespmem:$0x104A0] =	vst v63  }
0x24: {  	_ = 	snop  }
0x25: {  	[tilespmem:s0], [sflag:$0x1] =	stream.indirect.gather [spmem:s2], $0x80, s31, s17, $0xb8;
	[tilespmem:$0x104A0] =	vst v63  }
0x26: {  	_ =	swait.ge [sflag:s1], $0x2000  }
0x27: {  	[sflag:s1] =	ssyncset.done $0x0  }
0x28: {  	[sflag:s1] =	ssyncadd.s32 $0xFFFFE000  }
0x29: {  	[hbm4b:s4+s3] =	stream.linear.scatter [tilespmem:s18], [sflag:$0x2], $0x2000, $0x38;
	[tilespmem:$0x104A0] =	vst v63  }
0x2a: {  	_ =	swait.ge [sflag:s1], $0x2000  }
0x2b: {  	[sflag:s1] =	ssyncset.done $0x0  }
0x2c: {  	[sflag:s1] =	ssyncadd.s32 $0xFFFFE000  }
0x2d: {  	[hbm4b:s6+s3] =	stream.linear.scatter [tilespmem:s19], [sflag:$0x2], $0x2000, $0x38;
	[tilespmem:$0x104A0] =	vst v63  }
0x2e: {  	_ =	swait.ge [sflag:s1], $0x2000  }
0x2f: {  	[sflag:s1] =	ssyncset.done $0x0  }
0x30: {  	[sflag:s1] =	ssyncadd.s32 $0xFFFFE000  }
0x31: {  	[hbm4b:s7+s3] =	stream.linear.scatter [tilespmem:s21], [sflag:$0x2], $0x2000, $0x38;
	[tilespmem:$0x104A0] =	vst v63  }
0x32: {  	_ =	swait.ge [sflag:s1], $0x2000  }
0x33: {  	[sflag:s1] =	ssyncset.done $0x0  }
0x34: {  	[sflag:s1] =	ssyncadd.s32 $0xFFFFE000  }
0x35: {  	[hbm4b:s8+s3] =	stream.linear.scatter [tilespmem:s23], [sflag:$0x2], $0x2000, $0x38;
	[tilespmem:$0x104A0] =	vst v63  }
0x36: {  	_ =	swait.ge [sflag:s1], $0x2000  }
0x37: {  	[sflag:s1] =	ssyncset.done $0x0  }
0x38: {  	[sflag:s1] =	ssyncadd.s32 $0xFFFFE000  }
0x39: {  	[hbm4b:s9+s3] =	stream.linear.scatter [tilespmem:s25], [sflag:$0x2], $0x2000, $0x38;
	[tilespmem:$0x104A0] =	vst v63  }
0x3a: {  	_ =	swait.ge [sflag:s1], $0x2000  }
0x3b: {  	[sflag:s1] =	ssyncset.done $0x0  }
0x3c: {  	[sflag:s1] =	ssyncadd.s32 $0xFFFFE000  }
0x3d: {  	[hbm4b:s10+s3] =	stream.linear.scatter [tilespmem:s28], [sflag:$0x2], $0x2000, $0x38;
	[tilespmem:$0x104A0] =	vst v63  }
0x3e: {  	_ =	swait.ge [sflag:s1], $0x2000  }
0x3f: {  	[sflag:s1] =	ssyncset.done $0x0  }
0x40: {  	[sflag:s1] =	ssyncadd.s32 $0xFFFFE000  }
0x41: {  	[hbm4b:s11+s3] =	stream.linear.scatter [tilespmem:s30], [sflag:$0x2], $0x2000, $0x38;
	[tilespmem:$0x104A0] =	vst v63  }
0x42: {  	_ =	swait.ge [sflag:s1], $0x2000  }
0x43: {  	[sflag:s1] =	ssyncset.done $0x0  }
0x44: {  	[sflag:s1] =	ssyncadd.s32 $0xFFFFE000  }
0x45: {  	[hbm4b:s12+s3] =	stream.linear.scatter [tilespmem:s0], [sflag:$0x2], $0x2000, $0x38;
	[tilespmem:$0x104A0] =	vst v63  }
0x46: {  	_ =	swait.ge [sflag:s16], $0x2000  }
0x47: {  	[sflag:s16] =	ssyncset.done $0x0  }
0x48: {  	[sflag:s16] =	ssyncadd.s32 $0xFFFFE000  }
0x49: {  	_ =	swait.ge [sflag:s16], $0x2000  }
0x4a: {  	[sflag:s16] =	ssyncset.done $0x0  }
0x4b: {  	[sflag:s16] =	ssyncadd.s32 $0xFFFFE000  }
0x4c: {  	_ =	swait.ge [sflag:s16], $0x2000  }
0x4d: {  	[sflag:s16] =	ssyncset.done $0x0  }
0x4e: {  	[sflag:s16] =	ssyncadd.s32 $0xFFFFE000  }
0x4f: {  	_ =	swait.ge [sflag:s16], $0x2000  }
0x50: {  	[sflag:s16] =	ssyncset.done $0x0  }
0x51: {  	[sflag:s16] =	ssyncadd.s32 $0xFFFFE000  }
0x52: {  	_ =	swait.ge [sflag:s16], $0x2000  }
0x53: {  	[sflag:s16] =	ssyncset.done $0x0  }
0x54: {  	[sflag:s16] =	ssyncadd.s32 $0xFFFFE000  }
0x55: {  	_ =	swait.ge [sflag:s16], $0x2000  }
0x56: {  	[sflag:s16] =	ssyncset.done $0x0  }
0x57: {  	s13 =	sadd.s32 $0xFFFFFFFF, s13;
	[sflag:s16] =	ssyncadd.s32 $0xFFFFE000  }
0x58: {  	p1 =	sne.s32 s13, $0x0;
	_ =	swait.ge [sflag:s16], $0x2000  }
.Ltmp1:
0x59: {  	[sflag:s16] =	ssyncset.done $0x0;
	(pc) =	sbr.rel @!p1 .LBB2_4-.Ltmp1, $4  }
0x5a: {  	[sflag:s16] =	ssyncadd.s32 $0xFFFFE000  }
0x5b: {  	_ =	swait.ge [sflag:s16], $0x2000  }
0x5c: {  	[sflag:s16] =	ssyncset.done $0x0  }
0x5d: {  	[sflag:s16] =	ssyncadd.s32 $0xFFFFE000  }
.LBB2_1:
.Ltmp2:
0x5e: {  	(pc) =	sbr.rel @p0 .LBB2_3-.Ltmp2, $2  }
0x5f: {  	_ =	sdelay $0x2  }
0x60: {  	[tilespmem:s3], [sflag:$0x2] =	stream.linear.gather [hbm4b:s5+s3], $0x200, $0x38;
	[tilespmem:$0x104A0] =	vst v63  }
0x61: {  	s14 =	rddreg [dreg:$0x1]  }
0x62: {  	[tilespmem:s20], [sflag:$0x3] =	stream.linear.gather [hbm4b:s14+s3], $0x200, $0x38;
	[tilespmem:$0x104A0] =	vst v63  }
0x63: {  	_ =	swait.ge [sflag:s15], $0x200  }
0x64: {  	[sflag:s15] =	ssyncset.done $0x0  }
0x65: {  	[sflag:s15] =	ssyncadd.s32 $0xFFFFFE00  }
0x66: {  	v0 =	vld [tilespmem:$0x10200]  }
0x67: {  	v1 =	vld [tilespmem:$0x10210];
	_ =	sdelay $0x1  }
0x68: {  	v2 =	vld [tilespmem:$0x10220];
	_ =	sdelay $0x1  }
0x69: {  	v3 =	vld [tilespmem:$0x10230]  }
0x6a: {  	v0 =	vmul.f32 v0, v0;
	v1 =	vmul.f32 v1, v1  }
0x6b: {  	v4 =	vld [tilespmem:$0x10240]  }
0x6c: {  	v29 =	vmul.f32 v2, v2;
	v0 =	vadd.f32 v1, v0  }
0x6d: {  	v30 =	vld [tilespmem:$0x10250]  }
0x6e: {  	v31 =	vmul.f32 v3, v3;
	v0 =	vadd.f32 v29, v0  }
0x6f: {  	v32 =	vld [tilespmem:$0x10260]  }
0x70: {  	v33 =	vmul.f32 v4, v4;
	v0 =	vadd.f32 v31, v0  }
0x71: {  	v34 =	vld [tilespmem:$0x10270]  }
0x72: {  	v35 =	vmul.f32 v30, v30;
	v0 =	vadd.f32 v33, v0;
	_ =	sdelay $0x1  }
0x73: {  	v36 =	vmul.f32 v32, v32;
	v0 =	vadd.f32 v35, v0;
	_ =	sdelay $0x1  }
0x74: {  	v37 =	vmul.f32 v34, v34;
	v0 =	vadd.f32 v36, v0;
	_ =	sdelay $0x1  }
0x75: {  	v0 =	vadd.f32 v37, v0;
	_ =	sdelay $0x1  }
0x76: {  	[tilespmem:$0x10400] =	vst v0  }
0x77: {  	[tilespmem:$0x10410] =	vst v0  }
0x78: {  	v38 =	vld [tilespmem:$0x10408];
	_ =	sdelay $0x4  }
0x79: {  	v0 =	vadd.f32 v38, v0;
	_ =	sdelay $0x1  }
0x7a: {  	[tilespmem:$0x10400] =	vst v0  }
0x7b: {  	[tilespmem:$0x10410] =	vst v0  }
0x7c: {  	v39 =	vld [tilespmem:$0x10404];
	_ =	sdelay $0x4  }
0x7d: {  	v0 =	vadd.f32 v39, v0;
	_ =	sdelay $0x1  }
0x7e: {  	[tilespmem:$0x10400] =	vst v0  }
0x7f: {  	[tilespmem:$0x10410] =	vst v0  }
0x80: {  	v40 =	vld [tilespmem:$0x10402];
	_ =	sdelay $0x4  }
0x81: {  	v0 =	vadd.f32 v40, v0;
	_ =	sdelay $0x1  }
0x82: {  	v42 =	vld [tilespmem:$0x10280];
	[tilespmem:$0x10400] =	vst v0  }
0x83: {  	v43 =	vld [tilespmem:$0x10290];
	[tilespmem:$0x10410] =	vst v0  }
0x84: {  	v41 =	vld [tilespmem:$0x10401];
	_ =	sdelay $0x1  }
0x85: {  	v44 =	vld [tilespmem:$0x102A0];
	_ =	sdelay $0x1  }
0x86: {  	v5 =	vld [tilespmem:$0x102B0]  }
0x87: {  	v45 =	vmul.f32 v42, v42;
	v46 =	vmul.f32 v43, v43;
	v0 =	vadd.f32 v41, v0  }
0x88: {  	v47 =	vld [tilespmem:$0x102C0]  }
0x89: {  	v48 =	vmul.f32 v44, v44;
	v1 =	vadd.f32 v46, v45;
	v6 =	vadd.f32 $1.000000000e+00, v0  }
0x8a: {  	v49 =	vld [tilespmem:$0x102D0]  }
0x8b: {  	v50 =	vmul.f32 v5, v5;
	v1 =	vadd.f32 v48, v1;
	v6 =	vmul.f32 $5.000000000e-01, v6  }
0x8c: {  	v51 =	vld [tilespmem:$0x102E0]  }
0x8d: {  	v52 =	vmul.f32 v47, v47;
	v1 =	vadd.f32 v50, v1;
	(erf) = vrcp.f32 v6  }
0x8e: {  	v53 =	vld [tilespmem:$0x102F0]  }
0x8f: {  	v54 =	vmul.f32 v49, v49;
	v1 =	vadd.f32 v52, v1;
	_ =	sdelay $0x1  }
0x90: {  	v55 =	vmul.f32 v51, v51;
	v1 =	vadd.f32 v54, v1;
	_ =	sdelay $0x1  }
0x91: {  	v56 =	vmul.f32 v53, v53;
	v1 =	vadd.f32 v55, v1;
	_ =	sdelay $0x1  }
0x92: {  	v1 =	vadd.f32 v56, v1  }
0x93: {  	v57 =	vpop (erf)  }
0x94: {  	[tilespmem:$0x10400] =	vst v1;
	v2 =	vmul.f32 v57, v0  }
0x95: {  	[tilespmem:$0x10410] =	vst v1  }
0x96: {  	v58 =	vld [tilespmem:$0x10408];
	v2 =	vadd.f32 v2, v6;
	_ =	sdelay $0x1  }
0x97: {  	v2 =	vmul.f32 $5.000000000e-01, v2;
	_ =	sdelay $0x1  }
0x98: {  	(erf) = vrcp.f32 v2  }
0x99: {  	v1 =	vadd.f32 v58, v1;
	_ =	sdelay $0x1  }
0x9a: {  	[tilespmem:$0x10400] =	vst v1  }
0x9b: {  	[tilespmem:$0x10410] =	vst v1  }
0x9c: {  	v59 =	vld [tilespmem:$0x10404];
	_ =	sdelay $0x3  }
0x9d: {  	v60 =	vpop (erf)  }
0x9e: {  	v1 =	vadd.f32 v59, v1;
	v4 =	vmul.f32 v60, v0;
	_ =	sdelay $0x1  }
0x9f: {  	[tilespmem:$0x10400] =	vst v1;
	v2 =	vadd.f32 v4, v2  }
0xa0: {  	[tilespmem:$0x10410] =	vst v1  }
0xa1: {  	v61 =	vld [tilespmem:$0x10402];
	v2 =	vmul.f32 $5.000000000e-01, v2;
	_ =	sdelay $0x1  }
0xa2: {  	(erf) = vrcp.f32 v2;
	_ =	sdelay $0x2  }
0xa3: {  	v1 =	vadd.f32 v61, v1;
	_ =	sdelay $0x1  }
0xa4: {  	v62 =	vld [tilespmem:$0x10300];
	[tilespmem:$0x10400] =	vst v1  }
0xa5: {  	v63 =	vld [tilespmem:$0x10310];
	[tilespmem:$0x10410] =	vst v1  }
0xa6: {  	v9 =	vld [tilespmem:$0x10401]  }
0xa7: {  	v10 =	vld [tilespmem:$0x10320]  }
0xa8: {  	v7 =	vpop (erf)  }
0xa9: {  	v11 =	vld [tilespmem:$0x10330];
	v0 =	vmul.f32 v7, v0  }
0xaa: {  	v3 =	vmul.f32 v62, v62  }
0xab: {  	v1 =	vadd.f32 v9, v1;
	v4 =	vmul.f32 v63, v63;
	v0 =	vadd.f32 v0, v2  }
0xac: {  	v12 =	vld [tilespmem:$0x10340];
	v13 =	vmul.f32 v10, v10  }
0xad: {  	v5 =	vadd.f32 $1.000000000e+00, v1;
	v3 =	vadd.f32 v4, v3;
	v0 =	vmul.f32 $5.000000000e-01, v0  }
0xae: {  	v14 =	vld [tilespmem:$0x10350];
	v15 =	vmul.f32 v11, v11  }
0xaf: {  	v5 =	vmul.f32 $5.000000000e-01, v5;
	v3 =	vadd.f32 v13, v3;
	v0 =	vmax.f32 v0, $9.999999960e-13  }
0xb0: {  	v16 =	vld [tilespmem:$0x10360];
	(erf) = vrcp.f32 v0  }
0xb1: {  	v17 =	vadd.f32 v15, v3;
	v2 =	vmul.f32 v12, v12;
	(erf) = vrcp.f32 v5  }
0xb2: {  	v18 =	vld [tilespmem:$0x10370]  }
0xb3: {  	v19 =	vmul.f32 v14, v14;
	v0 =	vadd.f32 v2, v17;
	_ =	sdelay $0x1  }
0xb4: {  	v20 =	vmul.f32 v16, v16;
	v0 =	vadd.f32 v19, v0;
	_ =	sdelay $0x1  }
0xb5: {  	v21 =	vmul.f32 v18, v18;
	v0 =	vadd.f32 v20, v0;
	_ =	sdelay $0x1  }
0xb6: {  	v2 =	vadd.f32 v21, v0;
	v22 =	vpop (erf)  }
0xb7: {  	v23 =	vpop (erf)  }
0xb8: {  	[tilespmem:$0x10400] =	vst v2;
	v3 =	vmul.f32 v23, v1  }
0xb9: {  	[tilespmem:$0x10410] =	vst v2  }
0xba: {  	v24 =	vld [tilespmem:$0x10408];
	v3 =	vadd.f32 v3, v5;
	_ =	sdelay $0x1  }
0xbb: {  	v3 =	vmul.f32 $5.000000000e-01, v3;
	_ =	sdelay $0x1  }
0xbc: {  	(erf) = vrcp.f32 v3  }
0xbd: {  	v2 =	vadd.f32 v24, v2;
	_ =	sdelay $0x1  }
0xbe: {  	[tilespmem:$0x10400] =	vst v2  }
0xbf: {  	[tilespmem:$0x10410] =	vst v2  }
0xc0: {  	v25 =	vld [tilespmem:$0x10404];
	_ =	sdelay $0x3  }
0xc1: {  	v26 =	vpop (erf)  }
0xc2: {  	v2 =	vadd.f32 v25, v2;
	v27 =	vmul.f32 v26, v1;
	_ =	sdelay $0x1  }
0xc3: {  	[tilespmem:$0x10400] =	vst v2;
	v3 =	vadd.f32 v27, v3  }
0xc4: {  	[tilespmem:$0x10410] =	vst v2  }
0xc5: {  	v28 =	vld [tilespmem:$0x10402];
	v3 =	vmul.f32 $5.000000000e-01, v3;
	_ =	sdelay $0x1  }
0xc6: {  	(erf) = vrcp.f32 v3;
	_ =	sdelay $0x2  }
0xc7: {  	v2 =	vadd.f32 v28, v2;
	_ =	sdelay $0x1  }
0xc8: {  	v30 =	vld [tilespmem:$0x10380];
	[tilespmem:$0x10400] =	vst v2  }
0xc9: {  	v31 =	vld [tilespmem:$0x10390];
	[tilespmem:$0x10410] =	vst v2  }
0xca: {  	v29 =	vld [tilespmem:$0x10401]  }
0xcb: {  	v33 =	vld [tilespmem:$0x103A0]  }
0xcc: {  	v32 =	vpop (erf)  }
0xcd: {  	v1 =	vmul.f32 v32, v1  }
0xce: {  	v34 =	vld [tilespmem:$0x103B0];
	v35 =	vmul.f32 v30, v30;
	v36 =	vmul.f32 v31, v31  }
0xcf: {  	v2 =	vadd.f32 v29, v2;
	v1 =	vadd.f32 v1, v3  }
0xd0: {  	v37 =	vld [tilespmem:$0x103C0];
	v38 =	vmul.f32 v33, v33;
	v4 =	vadd.f32 v36, v35  }
0xd1: {  	v8 =	vadd.f32 $1.000000000e+00, v2;
	v1 =	vmul.f32 $5.000000000e-01, v1  }
0xd2: {  	v39 =	vld [tilespmem:$0x103D0];
	v4 =	vadd.f32 v38, v4  }
0xd3: {  	v8 =	vmul.f32 $5.000000000e-01, v8;
	v3 =	vmul.f32 v34, v34;
	v1 =	vmax.f32 v1, $9.999999960e-13  }
0xd4: {  	v40 =	vld [tilespmem:$0x103E0];
	(erf) = vrcp.f32 v1  }
0xd5: {  	v41 =	vmul.f32 v37, v37;
	v3 =	vadd.f32 v3, v4;
	(erf) = vrcp.f32 v8  }
0xd6: {  	v42 =	vld [tilespmem:$0x103F0]  }
0xd7: {  	v43 =	vmul.f32 v39, v39;
	v3 =	vadd.f32 v41, v3;
	_ =	sdelay $0x1  }
0xd8: {  	v1 =	vmul.f32 v40, v40;
	v3 =	vadd.f32 v43, v3;
	_ =	sdelay $0x1  }
0xd9: {  	v44 =	vmul.f32 v42, v42;
	v1 =	vadd.f32 v1, v3;
	_ =	sdelay $0x1  }
0xda: {  	v1 =	vadd.f32 v44, v1;
	v45 =	vpop (erf)  }
0xdb: {  	v46 =	vpop (erf)  }
0xdc: {  	[tilespmem:$0x10400] =	vst v1;
	v3 =	vmul.f32 v46, v2  }
0xdd: {  	[tilespmem:$0x10410] =	vst v1  }
0xde: {  	v47 =	vld [tilespmem:$0x10408];
	v3 =	vadd.f32 v3, v8;
	_ =	sdelay $0x1  }
0xdf: {  	v3 =	vmul.f32 $5.000000000e-01, v3;
	_ =	sdelay $0x1  }
0xe0: {  	(erf) = vrcp.f32 v3  }
0xe1: {  	v1 =	vadd.f32 v47, v1;
	_ =	sdelay $0x1  }
0xe2: {  	[tilespmem:$0x10400] =	vst v1  }
0xe3: {  	[tilespmem:$0x10410] =	vst v1  }
0xe4: {  	v48 =	vld [tilespmem:$0x10404];
	_ =	sdelay $0x3  }
0xe5: {  	v49 =	vpop (erf)  }
0xe6: {  	v1 =	vadd.f32 v48, v1;
	v6 =	vmul.f32 v49, v2;
	_ =	sdelay $0x1  }
0xe7: {  	[tilespmem:$0x10400] =	vst v1;
	v3 =	vadd.f32 v6, v3  }
0xe8: {  	[tilespmem:$0x10410] =	vst v1  }
0xe9: {  	v50 =	vld [tilespmem:$0x10402];
	v3 =	vmul.f32 $5.000000000e-01, v3;
	_ =	sdelay $0x1  }
0xea: {  	(erf) = vrcp.f32 v3;
	_ =	sdelay $0x2  }
0xeb: {  	v1 =	vadd.f32 v50, v1;
	_ =	sdelay $0x1  }
0xec: {  	[tilespmem:$0x10400] =	vst v1  }
0xed: {  	[tilespmem:$0x10410] =	vst v1  }
0xee: {  	v51 =	vld [tilespmem:$0x10401];
	_ =	sdelay $0x1  }
0xef: {  	v52 =	vpop (erf)  }
0xf0: {  	v2 =	vmul.f32 v52, v2;
	_ =	sdelay $0x1  }
0xf1: {  	v1 =	vadd.f32 v51, v1;
	v2 =	vadd.f32 v2, v3;
	_ =	sdelay $0x1  }
0xf2: {  	v53 =	vadd.f32 $1.000000000e+00, v1;
	v2 =	vmul.f32 $5.000000000e-01, v2;
	_ =	sdelay $0x1  }
0xf3: {  	v3 =	vmul.f32 $5.000000000e-01, v53;
	v2 =	vmax.f32 v2, $9.999999960e-13  }
0xf4: {  	(erf) = vrcp.f32 v2  }
0xf5: {  	(erf) = vrcp.f32 v3;
	_ =	sdelay $0x7  }
0xf6: {  	v2 =	vpop (erf)  }
0xf7: {  	v54 =	vpop (erf)  }
0xf8: {  	v5 =	vmul.f32 v54, v1;
	_ =	sdelay $0x1  }
0xf9: {  	v3 =	vadd.f32 v5, v3;
	_ =	sdelay $0x1  }
0xfa: {  	v3 =	vmul.f32 $5.000000000e-01, v3;
	_ =	sdelay $0x1  }
0xfb: {  	(erf) = vrcp.f32 v3;
	_ =	sdelay $0x8  }
0xfc: {  	v55 =	vpop (erf)  }
0xfd: {  	v5 =	vmul.f32 v55, v1;
	_ =	sdelay $0x1  }
0xfe: {  	v3 =	vadd.f32 v5, v3;
	_ =	sdelay $0x1  }
0xff: {  	v58 =	vld [tilespmem:$0x10220];
	v3 =	vmul.f32 $5.000000000e-01, v3  }
0x100: {  	v59 =	vld [tilespmem:$0x10230]  }
0x101: {  	v9 =	vld [tilespmem:$0x10240];
	(erf) = vrcp.f32 v3  }
0x102: {  	v10 =	vld [tilespmem:$0x10250]  }
0x103: {  	v11 =	vld [tilespmem:$0x10260]  }
0x104: {  	v61 =	vld [tilespmem:$0x10270];
	v60 =	vmul.f32 v22, v58  }
0x105: {  	v16 =	vld [tilespmem:$0x10290];
	v62 =	vmul.f32 v22, v59  }
0x106: {  	v18 =	vld [tilespmem:$0x102A0];
	v15 =	vmul.f32 v22, v9;
	[tilespmem:$0x10220] =	vst v60  }
0x107: {  	v20 =	vld [tilespmem:$0x102B0];
	v17 =	vmul.f32 v22, v10;
	[tilespmem:$0x10230] =	vst v62  }
0x108: {  	v21 =	vld [tilespmem:$0x102C0];
	v19 =	vmul.f32 v22, v11;
	[tilespmem:$0x10240] =	vst v15  }
0x109: {  	v0 =	vmul.f32 v22, v61;
	v23 =	vld [tilespmem:$0x102D0];
	[tilespmem:$0x10250] =	vst v17  }
0x10a: {  	[tilespmem:$0x10260] =	vst v19;
	v27 =	vld [tilespmem:$0x102F0];
	v24 =	vmul.f32 v45, v16;
	v12 =	vpop (erf)  }
0x10b: {  	v57 =	vld [tilespmem:$0x10210];
	[tilespmem:$0x10270] =	vst v0;
	v26 =	vmul.f32 v45, v18;
	v1 =	vmul.f32 v12, v1  }
0x10c: {  	v29 =	vld [tilespmem:$0x10300];
	v28 =	vmul.f32 v45, v20;
	[tilespmem:$0x10290] =	vst v24  }
0x10d: {  	v31 =	vld [tilespmem:$0x10310];
	v30 =	vmul.f32 v45, v21;
	[tilespmem:$0x102A0] =	vst v26;
	v1 =	vadd.f32 v1, v3  }
0x10e: {  	v33 =	vld [tilespmem:$0x10320];
	v32 =	vmul.f32 v45, v23;
	[tilespmem:$0x102B0] =	vst v28  }
0x10f: {  	v34 =	vld [tilespmem:$0x10330];
	v35 =	vmul.f32 v45, v27;
	[tilespmem:$0x102C0] =	vst v30;
	v1 =	vmul.f32 $5.000000000e-01, v1  }
0x110: {  	v38 =	vld [tilespmem:$0x10350];
	[tilespmem:$0x102D0] =	vst v32;
	v6 =	vmul.f32 v22, v57  }
0x111: {  	v40 =	vld [tilespmem:$0x10360];
	[tilespmem:$0x102F0] =	vst v35;
	v37 =	vmul.f32 v2, v29;
	v1 =	vmax.f32 v1, $9.999999960e-13  }
0x112: {  	v42 =	vld [tilespmem:$0x10370];
	[tilespmem:$0x10210] =	vst v6;
	v39 =	vmul.f32 v2, v31;
	(erf) = vrcp.f32 v1  }
0x113: {  	v56 =	vld [tilespmem:$0x10200];
	v41 =	vmul.f32 v2, v33;
	[tilespmem:$0x10300] =	vst v37  }
0x114: {  	v63 =	vld [tilespmem:$0x10280];
	v43 =	vmul.f32 v2, v34;
	[tilespmem:$0x10310] =	vst v39  }
0x115: {  	v25 =	vld [tilespmem:$0x102E0];
	v47 =	vmul.f32 v2, v38;
	[tilespmem:$0x10320] =	vst v41  }
0x116: {  	v36 =	vld [tilespmem:$0x10340];
	v49 =	vmul.f32 v2, v40;
	[tilespmem:$0x10330] =	vst v43  }
0x117: {  	v44 =	vld [tilespmem:$0x10380];
	v51 =	vmul.f32 v2, v42;
	[tilespmem:$0x10350] =	vst v47  }
0x118: {  	v46 =	vld [tilespmem:$0x10390];
	[tilespmem:$0x10360] =	vst v49;
	v5 =	vmul.f32 v22, v56  }
0x119: {  	v48 =	vld [tilespmem:$0x103A0];
	[tilespmem:$0x10370] =	vst v51;
	v22 =	vmul.f32 v45, v63  }
0x11a: {  	v50 =	vld [tilespmem:$0x103B0];
	[tilespmem:$0x10200] =	vst v5;
	v3 =	vmul.f32 v45, v25  }
0x11b: {  	v53 =	vld [tilespmem:$0x103C0];
	[tilespmem:$0x10280] =	vst v22;
	v45 =	vmul.f32 v2, v36;
	v52 =	vpop (erf)  }
0x11c: {  	v54 =	vld [tilespmem:$0x103D0];
	[tilespmem:$0x102E0] =	vst v3;
	v1 =	vmul.f32 v52, v44  }
0x11d: {  	v56 =	vld [tilespmem:$0x103E0];
	[tilespmem:$0x10340] =	vst v45;
	v55 =	vmul.f32 v52, v46  }
0x11e: {  	v58 =	vld [tilespmem:$0x103F0];
	v57 =	vmul.f32 v52, v48;
	[tilespmem:$0x10380] =	vst v1  }
0x11f: {  	v59 =	vmul.f32 v52, v50;
	[tilespmem:$0x10390] =	vst v55  }
0x120: {  	v60 =	vmul.f32 v52, v53;
	[tilespmem:$0x103A0] =	vst v57  }
0x121: {  	v61 =	vmul.f32 v52, v54;
	[tilespmem:$0x103B0] =	vst v59  }
0x122: {  	v62 =	vmul.f32 v52, v56;
	[tilespmem:$0x103C0] =	vst v60  }
0x123: {  	v63 =	vmul.f32 v52, v58;
	[tilespmem:$0x103D0] =	vst v61  }
0x124: {  	[tilespmem:$0x103E0] =	vst v62  }
.Ltmp3:
0x125: {  	[tilespmem:$0x103F0] =	vst v63;
	(pc) =	sbr.rel .LBB2_3-.Ltmp3, $4  }
0x126: {  	[spmem:s2] =	stream.linear.scatter [tilespmem:s20], [sflag:$0x3], $0x200, $0x38;
	[tilespmem:$0x104A0] =	vst v63  }
0x127: {  	_ =	swait.ge [sflag:s15], $0x200  }
0x128: {  	[sflag:s15] =	ssyncset.done $0x0  }
0x129: {  	s14 =	simm.s32 $0x80;
	[sflag:s15] =	ssyncadd.s32 $0xFFFFFE00  }
.LBB2_4:
0x12a: {  	_ =	sfence.sel $0x180000  }
0x12b: {  	[bflag:$0x0] =	sbarrier.arrive $0xFFFF  }
0x12c: {  	_ =	strace $0x90000047  }
0x12d: {  	[bflag:$0x2] =	sbarrier.arrive $0xFFFF  }
0x12e: {  	s0 =	rddreg [dreg:$0x4]  }
0x12f: {  	s0 =	sadd.s32 @!p0 $0x100000, s0  }
0x130: {  	[sflag:s0] =	ssyncadd.tile.s32 @!p0 $0x1;
	_ =	shalt  }
.Lfunc_end2:
_tile_overlayer_lowered:
.L_overlay_start_2:
0x131: {  	(tag) =	ssettag $0x2  }
0x132: {  	s0 =	rddreg [dreg:$0x0];
	s2 =	stileid.u32  }
0x133: {  	s1 =	rddreg [dreg:$0x1];
	p0 =	sne.s32 s2, $0x0  }
0x134: {  	s3 =	rddreg [dreg:$0x2];
	[bflag:$0x3] =	sbarrier.arrive $0xFFFF;
	s2 =	simm.s32 @!p0 $0x1C03  }
0x135: {  	[timem:s3], [sflag:s2] =	dma.local @!p0 [hbm:s0], s1  }
0x136: {  	s0 =	simm.s32 @!p0 $0x3  }
0x137: {  	_ =	swait.ge @!p0 [sflag:s0], s1  }
0x138: {  	s1 =	ssub.s32 @!p0 $0x0, s1;
	[sflag:s0] =	ssyncset.done @!p0 $0x0  }
0x139: {  	[sflag:s0] =	ssyncadd.s32 @!p0 s1  }
0x13a: {  	[bflag:$0x3] =	sbarrier.arrive $0xFFFF  }
0x13b: {  	_ =	shalt  }

</sc_bundles>
